<compile_context>
chip_gen: v7x
topology: tpu7x:2x2x1
jax: 0.10.2.dev20260603
libtpu: 0.0.44.dev20260713+nightly
codegen_flags: <defaults>
</compile_context>

<pallas_src>
import functools

import jax
import jax.numpy as jnp
from jax import lax
from jax.experimental import pallas as pl
from jax.experimental.pallas import tpu as pltpu
from jax.experimental.pallas import tpu_sc as plsc

D_MODEL = 128
BATCH = 1024
T = 200
B_TOTAL = BATCH * T
NC, NS = 2, 16
NW = NC * NS
B_PER_W = B_TOTAL // NW
CHUNK = 80
N_CHUNKS = B_PER_W // CHUNK
NBUF = 8
DG = 5
DS = 3


def _make_gather():
    mesh = plsc.VectorSubcoreMesh(core_axis_name="c", subcore_axis_name="s")

    @functools.partial(
        pl.kernel,
        mesh=mesh,
        out_type=jax.ShapeDtypeStruct((B_TOTAL, D_MODEL), jnp.float32),
        scratch_types=[
            pltpu.VMEM((B_PER_W,), jnp.int32),
        ]
        + [pltpu.VMEM((CHUNK, D_MODEL), jnp.float32)] * NBUF
        + [pltpu.SemaphoreType.DMA] * (2 * NBUF)
        + [pltpu.VMEM_SHARED((5000, D_MODEL), jnp.float32)],
    )
    def gather_kernel(idx_hbm, table_hbm, out_hbm, idx_v, *scratch):
        bufs = scratch[:NBUF]
        gsems = scratch[NBUF : 2 * NBUF]
        ssems = scratch[2 * NBUF : 3 * NBUF]
        table_sp = scratch[3 * NBUF]

        sid = lax.axis_index("s")
        wid = sid * NC + lax.axis_index("c")
        base = wid * B_PER_W

        pltpu.sync_copy(idx_hbm.at[pl.ds(base, B_PER_W)], idx_v)

        def fire_g(c, b, from_hbm=False):
            src = table_hbm if from_hbm else table_sp
            pltpu.async_copy(
                src.at[idx_v.at[pl.ds(c * CHUNK, CHUNK)]], bufs[b], gsems[b]
            )

        def wait_g(b):
            pltpu.make_async_copy(
                table_hbm.at[pl.ds(0, CHUNK)], bufs[b], gsems[b]
            ).wait()

        def fire_s(c, b):
            pltpu.async_copy(
                bufs[b], out_hbm.at[pl.ds(base + c * CHUNK, CHUNK)], ssems[b]
            )

        def wait_s(b):
            pltpu.make_async_copy(
                bufs[b], out_hbm.at[pl.ds(base, CHUNK)], ssems[b]
            ).wait()

        for c in range(DG):
            fire_g(c, c % NBUF, from_hbm=True)

        half = 2504

        @pl.when(sid == 0)
        def _():
            pltpu.sync_copy(table_hbm.at[pl.ds(0, half)], table_sp.at[pl.ds(0, half)])

        @pl.when(sid == 1)
        def _():
            pltpu.sync_copy(
                table_hbm.at[pl.ds(half, 5000 - half)],
                table_sp.at[pl.ds(half, 5000 - half)],
            )

        plsc.subcore_barrier()
        for c in range(DS):
            b = c % NBUF
            wait_g(b)
            fire_s(c, b)
            fire_g(c + DG, (c + DG) % NBUF)

        def steady(c, b):
            wait_g(b)
            fire_s(c, b)
            wait_s((b + NBUF - DS) % NBUF)
            fire_g(c + DG, (b + DG) % NBUF)

        n_mid = N_CHUNKS - DS - DG
        n_loop = n_mid // NBUF

        def ring(j, carry):
            for i in range(NBUF):
                c = DS + NBUF * j + i
                steady(c, (DS + i) % NBUF)
            return carry

        lax.fori_loop(0, n_loop, ring, 0)
        for c in range(DS + n_loop * NBUF, N_CHUNKS - DG):
            steady(c, c % NBUF)
        for c in range(N_CHUNKS - DG, N_CHUNKS):
            b = c % NBUF
            wait_g(b)
            fire_s(c, b)
            wait_s((b + NBUF - DS) % NBUF)
        for c in range(N_CHUNKS - DS, N_CHUNKS):
            wait_s(c % NBUF)

    return gather_kernel


_gather = _make_gather()


def kernel(delta_t, pe):
    idx = delta_t.reshape(-1)
    table = pe[0]
    out = _gather(idx, table)
    return out.reshape(BATCH, T, D_MODEL)

# --- scband reference (transcript-rebuilt; emitter-appended) ---
"""Pipeline reference for scband-delt-tencoding-34411277976119 (READ-ONLY COPY).

The authoritative reference and input builder live on the scoring server;
editing this copy changes nothing except your own understanding.
"""

import jax, jax.numpy as jnp
import numpy as np
import math

D_MODEL = 128
MAX_LEN = 5000
BATCH = 1024
T = 200

def _build_pe():
    position = np.arange(0, MAX_LEN, dtype=np.float32)[:, None]
    div_term = np.exp(np.arange(0, D_MODEL, 2, dtype=np.float32) * -(math.log(10000.0) / D_MODEL))
    pe = np.zeros((MAX_LEN, D_MODEL), dtype=np.float32)
    pe[:, 0::2] = np.sin(position * div_term)
    pe[:, 1::2] = np.cos(position * div_term)
    return jnp.asarray(pe)[None]  # [1, max_len, d_model]

def setup_inputs(seed: int = 0) -> dict:
    key = jax.random.key(seed)
    delta_t = jax.random.randint(key, (BATCH, T), 0, MAX_LEN, dtype=jnp.int32)
    pe = _build_pe()
    return {"delta_t": delta_t, "pe": pe}

def reference(delta_t, pe):
    # Faithful vectorization of the per-batch loop:
    # res_enc[i, :, :] = pe[:, delta_t[i], :]  ->  gather rows of pe[0] by delta_t
    return jnp.take(pe[0], delta_t, axis=0)  # [b, t, d_model]

if __name__ == "__main__":
    import jax
    _d = setup_inputs()
    print(jax.jit(kernel)(*tuple(_d.values())))

</pallas_src>

<mosaic_0001>
#map = affine_map<(d0, d1) -> (0)>
#map1 = affine_map<(d0, d1) -> (0, 0)>
module attributes {stable_mosaic.version = 14 : i64} {
  func.func @gather_kernel(%arg0: i32, %arg1: i32, %arg2: memref<204800xi32, #tpu.memory_space<hbm>>, %arg3: memref<5000x128xf32, #tpu.memory_space<hbm>>, %arg4: memref<204800x128xf32, #tpu.memory_space<hbm>>, %arg5: memref<6400xi32, #tpu.memory_space<vmem>>, %arg6: memref<80x128xf32, #tpu.memory_space<vmem>>, %arg7: memref<80x128xf32, #tpu.memory_space<vmem>>, %arg8: memref<80x128xf32, #tpu.memory_space<vmem>>, %arg9: memref<80x128xf32, #tpu.memory_space<vmem>>, %arg10: memref<80x128xf32, #tpu.memory_space<vmem>>, %arg11: memref<80x128xf32, #tpu.memory_space<vmem>>, %arg12: memref<80x128xf32, #tpu.memory_space<vmem>>, %arg13: memref<80x128xf32, #tpu.memory_space<vmem>>, %arg14: memref<!tpu.dma_semaphore, #tpu.memory_space<semaphore_mem>>, %arg15: memref<!tpu.dma_semaphore, #tpu.memory_space<semaphore_mem>>, %arg16: memref<!tpu.dma_semaphore, #tpu.memory_space<semaphore_mem>>, %arg17: memref<!tpu.dma_semaphore, #tpu.memory_space<semaphore_mem>>, %arg18: memref<!tpu.dma_semaphore, #tpu.memory_space<semaphore_mem>>, %arg19: memref<!tpu.dma_semaphore, #tpu.memory_space<semaphore_mem>>, %arg20: memref<!tpu.dma_semaphore, #tpu.memory_space<semaphore_mem>>, %arg21: memref<!tpu.dma_semaphore, #tpu.memory_space<semaphore_mem>>, %arg22: memref<!tpu.dma_semaphore, #tpu.memory_space<semaphore_mem>>, %arg23: memref<!tpu.dma_semaphore, #tpu.memory_space<semaphore_mem>>, %arg24: memref<!tpu.dma_semaphore, #tpu.memory_space<semaphore_mem>>, %arg25: memref<!tpu.dma_semaphore, #tpu.memory_space<semaphore_mem>>, %arg26: memref<!tpu.dma_semaphore, #tpu.memory_space<semaphore_mem>>, %arg27: memref<!tpu.dma_semaphore, #tpu.memory_space<semaphore_mem>>, %arg28: memref<!tpu.dma_semaphore, #tpu.memory_space<semaphore_mem>>, %arg29: memref<!tpu.dma_semaphore, #tpu.memory_space<semaphore_mem>>, %arg30: memref<5000x128xf32, #tpu.memory_space<vmem_shared>>) attributes {dimension_semantics = [#tpu.dimension_semantics<core_parallel>, #tpu.dimension_semantics<subcore_parallel>], iteration_bounds = array<i64: 2, 16>, scalar_prefetch = 0 : i64, scratch_operands = 26 : i64, tpu.core_type = #tpu.core_type<sc_vector_subcore>, window_params = [{transform_indices = #map}, {transform_indices = #map1}, {transform_indices = #map1}]} {
    %mul3A = arith.constant 2 : i32
    %mul3A_0 = arith.muli %arg1, %mul3A : i32
    %add3A = arith.addi %mul3A_0, %arg0 : i32
    %mul3A_1 = arith.constant 6400 : i32
    %mul3A_2 = arith.muli %add3A, %mul3A_1 : i32
    "tpu.region"() ({
      %run_scoped3A = tpu.sem_alloc : memref<!tpu.dma_semaphore, #tpu.memory_space<semaphore_mem>>
      %dma_start3A_181 = tpu.memref_slice %arg2[%mul3A_2] : memref<204800xi32, #tpu.memory_space<hbm>> -> memref<6400xi32, #tpu.memory_space<hbm>>
      %dma_start3A_182 = tpu.memref_slice %arg2[%mul3A_2] : memref<204800xi32, #tpu.memory_space<hbm>> -> memref<6400xi32, #tpu.memory_space<hbm>>
      tpu.enqueue_dma source(%dma_start3A_182 : memref<6400xi32, #tpu.memory_space<hbm>>) target(%arg5 : memref<6400xi32, #tpu.memory_space<vmem>>) target_semaphore(%run_scoped3A : memref<!tpu.dma_semaphore, #tpu.memory_space<semaphore_mem>>)
      %dma_wait3A_183 = tpu.memref_slice %arg2[%mul3A_2] : memref<204800xi32, #tpu.memory_space<hbm>> -> memref<6400xi32, #tpu.memory_space<hbm>>
      %dma_wait3A_184 = tpu.memref_slice %arg2[%mul3A_2] : memref<204800xi32, #tpu.memory_space<hbm>> -> memref<6400xi32, #tpu.memory_space<hbm>>
      tpu.wait_dma2 semaphore(%run_scoped3A : memref<!tpu.dma_semaphore, #tpu.memory_space<semaphore_mem>>) src(%dma_wait3A_184 : memref<6400xi32, #tpu.memory_space<hbm>>) dst(%arg5 : memref<6400xi32, #tpu.memory_space<vmem>>)
      tpu.yield
    }) : () -> ()
    %dma_start3A = arith.constant 0 : i32
    %dma_start3A_3 = tpu.memref_slice %arg5[%dma_start3A] : memref<6400xi32, #tpu.memory_space<vmem>> -> memref<80xi32, #tpu.memory_space<vmem>>
    %dma_start3A_4 = arith.constant 0 : i32
    %dma_start3A_5 = arith.constant 0 : i32
    %dma_start3A_6 = tpu.memref_slice %arg3[%dma_start3A_4, %dma_start3A_5] : memref<5000x128xf32, #tpu.memory_space<hbm>> -> memref<5000x128xf32, #tpu.memory_space<hbm>>
    tpu.enqueue_indirect_dma source(%dma_start3A_6 : memref<5000x128xf32, #tpu.memory_space<hbm>>) target(%arg6 : memref<80x128xf32, #tpu.memory_space<vmem>>) offsets(%dma_start3A_3 : memref<80xi32, #tpu.memory_space<vmem>>) semaphore(%arg14 : memref<!tpu.dma_semaphore, #tpu.memory_space<semaphore_mem>>)
    %dma_start3A_7 = arith.constant 80 : i32
    %dma_start3A_8 = tpu.memref_slice %arg5[%dma_start3A_7] : memref<6400xi32, #tpu.memory_space<vmem>> -> memref<80xi32, #tpu.memory_space<vmem>>
    %dma_start3A_9 = arith.constant 0 : i32
    %dma_start3A_10 = arith.constant 0 : i32
    %dma_start3A_11 = tpu.memref_slice %arg3[%dma_start3A_9, %dma_start3A_10] : memref<5000x128xf32, #tpu.memory_space<hbm>> -> memref<5000x128xf32, #tpu.memory_space<hbm>>
    tpu.enqueue_indirect_dma source(%dma_start3A_11 : memref<5000x128xf32, #tpu.memory_space<hbm>>) target(%arg7 : memref<80x128xf32, #tpu.memory_space<vmem>>) offsets(%dma_start3A_8 : memref<80xi32, #tpu.memory_space<vmem>>) semaphore(%arg15 : memref<!tpu.dma_semaphore, #tpu.memory_space<semaphore_mem>>)
    %dma_start3A_12 = arith.constant 160 : i32
    %dma_start3A_13 = tpu.memref_slice %arg5[%dma_start3A_12] : memref<6400xi32, #tpu.memory_space<vmem>> -> memref<80xi32, #tpu.memory_space<vmem>>
    %dma_start3A_14 = arith.constant 0 : i32
    %dma_start3A_15 = arith.constant 0 : i32
    %dma_start3A_16 = tpu.memref_slice %arg3[%dma_start3A_14, %dma_start3A_15] : memref<5000x128xf32, #tpu.memory_space<hbm>> -> memref<5000x128xf32, #tpu.memory_space<hbm>>
    tpu.enqueue_indirect_dma source(%dma_start3A_16 : memref<5000x128xf32, #tpu.memory_space<hbm>>) target(%arg8 : memref<80x128xf32, #tpu.memory_space<vmem>>) offsets(%dma_start3A_13 : memref<80xi32, #tpu.memory_space<vmem>>) semaphore(%arg16 : memref<!tpu.dma_semaphore, #tpu.memory_space<semaphore_mem>>)
    %dma_start3A_17 = arith.constant 240 : i32
    %dma_start3A_18 = tpu.memref_slice %arg5[%dma_start3A_17] : memref<6400xi32, #tpu.memory_space<vmem>> -> memref<80xi32, #tpu.memory_space<vmem>>
    %dma_start3A_19 = arith.constant 0 : i32
    %dma_start3A_20 = arith.constant 0 : i32
    %dma_start3A_21 = tpu.memref_slice %arg3[%dma_start3A_19, %dma_start3A_20] : memref<5000x128xf32, #tpu.memory_space<hbm>> -> memref<5000x128xf32, #tpu.memory_space<hbm>>
    tpu.enqueue_indirect_dma source(%dma_start3A_21 : memref<5000x128xf32, #tpu.memory_space<hbm>>) target(%arg9 : memref<80x128xf32, #tpu.memory_space<vmem>>) offsets(%dma_start3A_18 : memref<80xi32, #tpu.memory_space<vmem>>) semaphore(%arg17 : memref<!tpu.dma_semaphore, #tpu.memory_space<semaphore_mem>>)
    %dma_start3A_22 = arith.constant 320 : i32
    %dma_start3A_23 = tpu.memref_slice %arg5[%dma_start3A_22] : memref<6400xi32, #tpu.memory_space<vmem>> -> memref<80xi32, #tpu.memory_space<vmem>>
    %dma_start3A_24 = arith.constant 0 : i32
    %dma_start3A_25 = arith.constant 0 : i32
    %dma_start3A_26 = tpu.memref_slice %arg3[%dma_start3A_24, %dma_start3A_25] : memref<5000x128xf32, #tpu.memory_space<hbm>> -> memref<5000x128xf32, #tpu.memory_space<hbm>>
    tpu.enqueue_indirect_dma source(%dma_start3A_26 : memref<5000x128xf32, #tpu.memory_space<hbm>>) target(%arg10 : memref<80x128xf32, #tpu.memory_space<vmem>>) offsets(%dma_start3A_23 : memref<80xi32, #tpu.memory_space<vmem>>) semaphore(%arg18 : memref<!tpu.dma_semaphore, #tpu.memory_space<semaphore_mem>>)
    %eq3A = arith.constant 0 : i32
    %eq3A_27 = arith.cmpi eq, %arg1, %eq3A : i32
    %convert_element_type3A = arith.extui %eq3A_27 : i1 to i32
    %cond3A = arith.constant 0 : i32
    %cond3A_28 = arith.cmpi ne, %convert_element_type3A, %cond3A : i32
    scf.if %cond3A_28 {
      "tpu.region"() ({
        %run_scoped3A = tpu.sem_alloc : memref<!tpu.dma_semaphore, #tpu.memory_space<semaphore_mem>>
        %dma_start3A_181 = arith.constant 0 : i32
        %dma_start3A_182 = arith.constant 0 : i32
        %dma_start3A_183 = tpu.memref_slice %arg30[%dma_start3A_181, %dma_start3A_182] : memref<5000x128xf32, #tpu.memory_space<vmem_shared>> -> memref<2504x128xf32, #tpu.memory_space<vmem_shared>>
        %dma_start3A_184 = arith.constant 0 : i32
        %dma_start3A_185 = arith.constant 0 : i32
        %dma_start3A_186 = tpu.memref_slice %arg3[%dma_start3A_184, %dma_start3A_185] : memref<5000x128xf32, #tpu.memory_space<hbm>> -> memref<2504x128xf32, #tpu.memory_space<hbm>>
        tpu.enqueue_dma source(%dma_start3A_186 : memref<2504x128xf32, #tpu.memory_space<hbm>>) target(%dma_start3A_183 : memref<2504x128xf32, #tpu.memory_space<vmem_shared>>) target_semaphore(%run_scoped3A : memref<!tpu.dma_semaphore, #tpu.memory_space<semaphore_mem>>)
        %dma_wait3A_187 = arith.constant 0 : i32
        %dma_wait3A_188 = arith.constant 0 : i32
        %dma_wait3A_189 = tpu.memref_slice %arg30[%dma_wait3A_187, %dma_wait3A_188] : memref<5000x128xf32, #tpu.memory_space<vmem_shared>> -> memref<2504x128xf32, #tpu.memory_space<vmem_shared>>
        %dma_wait3A_190 = arith.constant 0 : i32
        %dma_wait3A_191 = arith.constant 0 : i32
        %dma_wait3A_192 = tpu.memref_slice %arg3[%dma_wait3A_190, %dma_wait3A_191] : memref<5000x128xf32, #tpu.memory_space<hbm>> -> memref<2504x128xf32, #tpu.memory_space<hbm>>
        tpu.wait_dma2 semaphore(%run_scoped3A : memref<!tpu.dma_semaphore, #tpu.memory_space<semaphore_mem>>) src(%dma_wait3A_192 : memref<2504x128xf32, #tpu.memory_space<hbm>>) dst(%dma_wait3A_189 : memref<2504x128xf32, #tpu.memory_space<vmem_shared>>)
        tpu.yield
      }) : () -> ()
    } else {
    }
    %eq3A_29 = arith.constant 1 : i32
    %eq3A_30 = arith.cmpi eq, %arg1, %eq3A_29 : i32
    %convert_element_type3A_31 = arith.extui %eq3A_30 : i1 to i32
    %cond3A_32 = arith.constant 0 : i32
    %cond3A_33 = arith.cmpi ne, %convert_element_type3A_31, %cond3A_32 : i32
    scf.if %cond3A_33 {
      "tpu.region"() ({
        %run_scoped3A = tpu.sem_alloc : memref<!tpu.dma_semaphore, #tpu.memory_space<semaphore_mem>>
        %dma_start3A_181 = arith.constant 2504 : i32
        %dma_start3A_182 = arith.constant 0 : i32
        %dma_start3A_183 = tpu.memref_slice %arg30[%dma_start3A_181, %dma_start3A_182] : memref<5000x128xf32, #tpu.memory_space<vmem_shared>> -> memref<2496x128xf32, #tpu.memory_space<vmem_shared>>
        %dma_start3A_184 = arith.constant 2504 : i32
        %dma_start3A_185 = arith.constant 0 : i32
        %dma_start3A_186 = tpu.memref_slice %arg3[%dma_start3A_184, %dma_start3A_185] : memref<5000x128xf32, #tpu.memory_space<hbm>> -> memref<2496x128xf32, #tpu.memory_space<hbm>>
        tpu.enqueue_dma source(%dma_start3A_186 : memref<2496x128xf32, #tpu.memory_space<hbm>>) target(%dma_start3A_183 : memref<2496x128xf32, #tpu.memory_space<vmem_shared>>) target_semaphore(%run_scoped3A : memref<!tpu.dma_semaphore, #tpu.memory_space<semaphore_mem>>)
        %dma_wait3A_187 = arith.constant 2504 : i32
        %dma_wait3A_188 = arith.constant 0 : i32
        %dma_wait3A_189 = tpu.memref_slice %arg30[%dma_wait3A_187, %dma_wait3A_188] : memref<5000x128xf32, #tpu.memory_space<vmem_shared>> -> memref<2496x128xf32, #tpu.memory_space<vmem_shared>>
        %dma_wait3A_190 = arith.constant 2504 : i32
        %dma_wait3A_191 = arith.constant 0 : i32
        %dma_wait3A_192 = tpu.memref_slice %arg3[%dma_wait3A_190, %dma_wait3A_191] : memref<5000x128xf32, #tpu.memory_space<hbm>> -> memref<2496x128xf32, #tpu.memory_space<hbm>>
        tpu.wait_dma2 semaphore(%run_scoped3A : memref<!tpu.dma_semaphore, #tpu.memory_space<semaphore_mem>>) src(%dma_wait3A_192 : memref<2496x128xf32, #tpu.memory_space<hbm>>) dst(%dma_wait3A_189 : memref<2496x128xf32, #tpu.memory_space<vmem_shared>>)
        tpu.yield
      }) : () -> ()
    } else {
    }
    %barrier3A = arith.constant 0 : index
    tpu.barrier barrier_id(%barrier3A)
    %dma_wait3A = arith.constant 0 : i32
    %dma_wait3A_34 = arith.constant 0 : i32
    %dma_wait3A_35 = tpu.memref_slice %arg3[%dma_wait3A, %dma_wait3A_34] : memref<5000x128xf32, #tpu.memory_space<hbm>> -> memref<80x128xf32, #tpu.memory_space<hbm>>
    %dma_wait3A_36 = arith.constant 0 : i32
    %dma_wait3A_37 = arith.constant 0 : i32
    %dma_wait3A_38 = tpu.memref_slice %arg3[%dma_wait3A_36, %dma_wait3A_37] : memref<5000x128xf32, #tpu.memory_space<hbm>> -> memref<80x128xf32, #tpu.memory_space<hbm>>
    tpu.wait_dma2 semaphore(%arg14 : memref<!tpu.dma_semaphore, #tpu.memory_space<semaphore_mem>>) src(%dma_wait3A_38 : memref<80x128xf32, #tpu.memory_space<hbm>>) dst(%arg6 : memref<80x128xf32, #tpu.memory_space<vmem>>)
    %add3A_39 = arith.constant 0 : i32
    %add3A_40 = arith.addi %mul3A_2, %add3A_39 : i32
    %dma_start3A_41 = arith.constant 0 : i32
    %dma_start3A_42 = tpu.memref_slice %arg4[%add3A_40, %dma_start3A_41] : memref<204800x128xf32, #tpu.memory_space<hbm>> -> memref<80x128xf32, #tpu.memory_space<hbm>>
    %dma_start3A_43 = arith.constant 0 : i32
    %dma_start3A_44 = tpu.memref_slice %arg4[%add3A_40, %dma_start3A_43] : memref<204800x128xf32, #tpu.memory_space<hbm>> -> memref<80x128xf32, #tpu.memory_space<hbm>>
    tpu.enqueue_dma source(%arg6 : memref<80x128xf32, #tpu.memory_space<vmem>>) target(%dma_start3A_44 : memref<80x128xf32, #tpu.memory_space<hbm>>) target_semaphore(%arg22 : memref<!tpu.dma_semaphore, #tpu.memory_space<semaphore_mem>>)
    %dma_start3A_45 = arith.constant 400 : i32
    %dma_start3A_46 = tpu.memref_slice %arg5[%dma_start3A_45] : memref<6400xi32, #tpu.memory_space<vmem>> -> memref<80xi32, #tpu.memory_space<vmem>>
    %dma_start3A_47 = arith.constant 0 : i32
    %dma_start3A_48 = arith.constant 0 : i32
    %dma_start3A_49 = tpu.memref_slice %arg30[%dma_start3A_47, %dma_start3A_48] : memref<5000x128xf32, #tpu.memory_space<vmem_shared>> -> memref<5000x128xf32, #tpu.memory_space<vmem_shared>>
    tpu.enqueue_indirect_dma source(%dma_start3A_49 : memref<5000x128xf32, #tpu.memory_space<vmem_shared>>) target(%arg11 : memref<80x128xf32, #tpu.memory_space<vmem>>) offsets(%dma_start3A_46 : memref<80xi32, #tpu.memory_space<vmem>>) semaphore(%arg19 : memref<!tpu.dma_semaphore, #tpu.memory_space<semaphore_mem>>)
    %dma_wait3A_50 = arith.constant 0 : i32
    %dma_wait3A_51 = arith.constant 0 : i32
    %dma_wait3A_52 = tpu.memref_slice %arg3[%dma_wait3A_50, %dma_wait3A_51] : memref<5000x128xf32, #tpu.memory_space<hbm>> -> memref<80x128xf32, #tpu.memory_space<hbm>>
    %dma_wait3A_53 = arith.constant 0 : i32
    %dma_wait3A_54 = arith.constant 0 : i32
    %dma_wait3A_55 = tpu.memref_slice %arg3[%dma_wait3A_53, %dma_wait3A_54] : memref<5000x128xf32, #tpu.memory_space<hbm>> -> memref<80x128xf32, #tpu.memory_space<hbm>>
    tpu.wait_dma2 semaphore(%arg15 : memref<!tpu.dma_semaphore, #tpu.memory_space<semaphore_mem>>) src(%dma_wait3A_55 : memref<80x128xf32, #tpu.memory_space<hbm>>) dst(%arg7 : memref<80x128xf32, #tpu.memory_space<vmem>>)
    %add3A_56 = arith.constant 80 : i32
    %add3A_57 = arith.addi %mul3A_2, %add3A_56 : i32
    %dma_start3A_58 = arith.constant 0 : i32
    %dma_start3A_59 = tpu.memref_slice %arg4[%add3A_57, %dma_start3A_58] : memref<204800x128xf32, #tpu.memory_space<hbm>> -> memref<80x128xf32, #tpu.memory_space<hbm>>
    %dma_start3A_60 = arith.constant 0 : i32
    %dma_start3A_61 = tpu.memref_slice %arg4[%add3A_57, %dma_start3A_60] : memref<204800x128xf32, #tpu.memory_space<hbm>> -> memref<80x128xf32, #tpu.memory_space<hbm>>
    tpu.enqueue_dma source(%arg7 : memref<80x128xf32, #tpu.memory_space<vmem>>) target(%dma_start3A_61 : memref<80x128xf32, #tpu.memory_space<hbm>>) target_semaphore(%arg23 : memref<!tpu.dma_semaphore, #tpu.memory_space<semaphore_mem>>)
    %dma_start3A_62 = arith.constant 480 : i32
    %dma_start3A_63 = tpu.memref_slice %arg5[%dma_start3A_62] : memref<6400xi32, #tpu.memory_space<vmem>> -> memref<80xi32, #tpu.memory_space<vmem>>
    %dma_start3A_64 = arith.constant 0 : i32
    %dma_start3A_65 = arith.constant 0 : i32
    %dma_start3A_66 = tpu.memref_slice %arg30[%dma_start3A_64, %dma_start3A_65] : memref<5000x128xf32, #tpu.memory_space<vmem_shared>> -> memref<5000x128xf32, #tpu.memory_space<vmem_shared>>
    tpu.enqueue_indirect_dma source(%dma_start3A_66 : memref<5000x128xf32, #tpu.memory_space<vmem_shared>>) target(%arg12 : memref<80x128xf32, #tpu.memory_space<vmem>>) offsets(%dma_start3A_63 : memref<80xi32, #tpu.memory_space<vmem>>) semaphore(%arg20 : memref<!tpu.dma_semaphore, #tpu.memory_space<semaphore_mem>>)
    %dma_wait3A_67 = arith.constant 0 : i32
    %dma_wait3A_68 = arith.constant 0 : i32
    %dma_wait3A_69 = tpu.memref_slice %arg3[%dma_wait3A_67, %dma_wait3A_68] : memref<5000x128xf32, #tpu.memory_space<hbm>> -> memref<80x128xf32, #tpu.memory_space<hbm>>
    %dma_wait3A_70 = arith.constant 0 : i32
    %dma_wait3A_71 = arith.constant 0 : i32
    %dma_wait3A_72 = tpu.memref_slice %arg3[%dma_wait3A_70, %dma_wait3A_71] : memref<5000x128xf32, #tpu.memory_space<hbm>> -> memref<80x128xf32, #tpu.memory_space<hbm>>
    tpu.wait_dma2 semaphore(%arg16 : memref<!tpu.dma_semaphore, #tpu.memory_space<semaphore_mem>>) src(%dma_wait3A_72 : memref<80x128xf32, #tpu.memory_space<hbm>>) dst(%arg8 : memref<80x128xf32, #tpu.memory_space<vmem>>)
    %add3A_73 = arith.constant 160 : i32
    %add3A_74 = arith.addi %mul3A_2, %add3A_73 : i32
    %dma_start3A_75 = arith.constant 0 : i32
    %dma_start3A_76 = tpu.memref_slice %arg4[%add3A_74, %dma_start3A_75] : memref<204800x128xf32, #tpu.memory_space<hbm>> -> memref<80x128xf32, #tpu.memory_space<hbm>>
    %dma_start3A_77 = arith.constant 0 : i32
    %dma_start3A_78 = tpu.memref_slice %arg4[%add3A_74, %dma_start3A_77] : memref<204800x128xf32, #tpu.memory_space<hbm>> -> memref<80x128xf32, #tpu.memory_space<hbm>>
    tpu.enqueue_dma source(%arg8 : memref<80x128xf32, #tpu.memory_space<vmem>>) target(%dma_start3A_78 : memref<80x128xf32, #tpu.memory_space<hbm>>) target_semaphore(%arg24 : memref<!tpu.dma_semaphore, #tpu.memory_space<semaphore_mem>>)
    %dma_start3A_79 = arith.constant 560 : i32
    %dma_start3A_80 = tpu.memref_slice %arg5[%dma_start3A_79] : memref<6400xi32, #tpu.memory_space<vmem>> -> memref<80xi32, #tpu.memory_space<vmem>>
    %dma_start3A_81 = arith.constant 0 : i32
    %dma_start3A_82 = arith.constant 0 : i32
    %dma_start3A_83 = tpu.memref_slice %arg30[%dma_start3A_81, %dma_start3A_82] : memref<5000x128xf32, #tpu.memory_space<vmem_shared>> -> memref<5000x128xf32, #tpu.memory_space<vmem_shared>>
    tpu.enqueue_indirect_dma source(%dma_start3A_83 : memref<5000x128xf32, #tpu.memory_space<vmem_shared>>) target(%arg13 : memref<80x128xf32, #tpu.memory_space<vmem>>) offsets(%dma_start3A_80 : memref<80xi32, #tpu.memory_space<vmem>>) semaphore(%arg21 : memref<!tpu.dma_semaphore, #tpu.memory_space<semaphore_mem>>)
    %scan3A = arith.constant 0 : i32
    %scan3A_84 = arith.constant 0 : i32
    %scan3A_85 = arith.constant 9 : i32
    %scan3A_86 = arith.addi %scan3A_84, %scan3A_85 : i32
    %scan3A_87 = arith.constant 1 : i32
    scf.for %scan3A_181 = %scan3A_84 to %scan3A_86 step %scan3A_87  : i32 {
      %mul3A_182 = arith.constant 8 : i32
      %mul3A_183 = arith.muli %mul3A_182, %scan3A_181 : i32
      %add3A_184 = arith.constant 3 : i32
      %add3A_185 = arith.addi %add3A_184, %mul3A_183 : i32
      %add3A_186 = arith.constant 0 : i32
      %add3A_187 = arith.addi %add3A_185, %add3A_186 : i32
      %dma_wait3A_188 = arith.constant 0 : i32
      %dma_wait3A_189 = arith.constant 0 : i32
      %dma_wait3A_190 = tpu.memref_slice %arg3[%dma_wait3A_188, %dma_wait3A_189] : memref<5000x128xf32, #tpu.memory_space<hbm>> -> memref<80x128xf32, #tpu.memory_space<hbm>>
      %dma_wait3A_191 = arith.constant 0 : i32
      %dma_wait3A_192 = arith.constant 0 : i32
      %dma_wait3A_193 = tpu.memref_slice %arg3[%dma_wait3A_191, %dma_wait3A_192] : memref<5000x128xf32, #tpu.memory_space<hbm>> -> memref<80x128xf32, #tpu.memory_space<hbm>>
      tpu.wait_dma2 semaphore(%arg17 : memref<!tpu.dma_semaphore, #tpu.memory_space<semaphore_mem>>) src(%dma_wait3A_193 : memref<80x128xf32, #tpu.memory_space<hbm>>) dst(%arg9 : memref<80x128xf32, #tpu.memory_space<vmem>>)
      %mul3A_194 = arith.constant 80 : i32
      %mul3A_195 = arith.muli %add3A_187, %mul3A_194 : i32
      %add3A_196 = arith.addi %mul3A_2, %mul3A_195 : i32
      %dma_start3A_197 = arith.constant 0 : i32
      %dma_start3A_198 = tpu.memref_slice %arg4[%add3A_196, %dma_start3A_197] : memref<204800x128xf32, #tpu.memory_space<hbm>> -> memref<80x128xf32, #tpu.memory_space<hbm>>
      %dma_start3A_199 = arith.constant 0 : i32
      %dma_start3A_200 = tpu.memref_slice %arg4[%add3A_196, %dma_start3A_199] : memref<204800x128xf32, #tpu.memory_space<hbm>> -> memref<80x128xf32, #tpu.memory_space<hbm>>
      tpu.enqueue_dma source(%arg9 : memref<80x128xf32, #tpu.memory_space<vmem>>) target(%dma_start3A_200 : memref<80x128xf32, #tpu.memory_space<hbm>>) target_semaphore(%arg25 : memref<!tpu.dma_semaphore, #tpu.memory_space<semaphore_mem>>)
      %dma_wait3A_201 = arith.constant 0 : i32
      %dma_wait3A_202 = tpu.memref_slice %arg4[%mul3A_2, %dma_wait3A_201] : memref<204800x128xf32, #tpu.memory_space<hbm>> -> memref<80x128xf32, #tpu.memory_space<hbm>>
      %dma_wait3A_203 = arith.constant 0 : i32
      %dma_wait3A_204 = tpu.memref_slice %arg4[%mul3A_2, %dma_wait3A_203] : memref<204800x128xf32, #tpu.memory_space<hbm>> -> memref<80x128xf32, #tpu.memory_space<hbm>>
      tpu.wait_dma2 semaphore(%arg22 : memref<!tpu.dma_semaphore, #tpu.memory_space<semaphore_mem>>) src(%arg6 : memref<80x128xf32, #tpu.memory_space<vmem>>) dst(%dma_wait3A_204 : memref<80x128xf32, #tpu.memory_space<hbm>>)
      %add3A_205 = arith.constant 5 : i32
      %add3A_206 = arith.addi %add3A_187, %add3A_205 : i32
      %mul3A_207 = arith.constant 80 : i32
      %mul3A_208 = arith.muli %add3A_206, %mul3A_207 : i32
      %dma_start3A_209 = tpu.memref_slice %arg5[%mul3A_208] : memref<6400xi32, #tpu.memory_space<vmem>> -> memref<80xi32, #tpu.memory_space<vmem>>
      %dma_start3A_210 = arith.constant 0 : i32
      %dma_start3A_211 = arith.constant 0 : i32
      %dma_start3A_212 = tpu.memref_slice %arg30[%dma_start3A_210, %dma_start3A_211] : memref<5000x128xf32, #tpu.memory_space<vmem_shared>> -> memref<5000x128xf32, #tpu.memory_space<vmem_shared>>
      tpu.enqueue_indirect_dma source(%dma_start3A_212 : memref<5000x128xf32, #tpu.memory_space<vmem_shared>>) target(%arg6 : memref<80x128xf32, #tpu.memory_space<vmem>>) offsets(%dma_start3A_209 : memref<80xi32, #tpu.memory_space<vmem>>) semaphore(%arg14 : memref<!tpu.dma_semaphore, #tpu.memory_space<semaphore_mem>>)
      %mul3A_213 = arith.constant 8 : i32
      %mul3A_214 = arith.muli %mul3A_213, %scan3A_181 : i32
      %add3A_215 = arith.constant 3 : i32
      %add3A_216 = arith.addi %add3A_215, %mul3A_214 : i32
      %add3A_217 = arith.constant 1 : i32
      %add3A_218 = arith.addi %add3A_216, %add3A_217 : i32
      %dma_wait3A_219 = arith.constant 0 : i32
      %dma_wait3A_220 = arith.constant 0 : i32
      %dma_wait3A_221 = tpu.memref_slice %arg3[%dma_wait3A_219, %dma_wait3A_220] : memref<5000x128xf32, #tpu.memory_space<hbm>> -> memref<80x128xf32, #tpu.memory_space<hbm>>
      %dma_wait3A_222 = arith.constant 0 : i32
      %dma_wait3A_223 = arith.constant 0 : i32
      %dma_wait3A_224 = tpu.memref_slice %arg3[%dma_wait3A_222, %dma_wait3A_223] : memref<5000x128xf32, #tpu.memory_space<hbm>> -> memref<80x128xf32, #tpu.memory_space<hbm>>
      tpu.wait_dma2 semaphore(%arg18 : memref<!tpu.dma_semaphore, #tpu.memory_space<semaphore_mem>>) src(%dma_wait3A_224 : memref<80x128xf32, #tpu.memory_space<hbm>>) dst(%arg10 : memref<80x128xf32, #tpu.memory_space<vmem>>)
      %mul3A_225 = arith.constant 80 : i32
      %mul3A_226 = arith.muli %add3A_218, %mul3A_225 : i32
      %add3A_227 = arith.addi %mul3A_2, %mul3A_226 : i32
      %dma_start3A_228 = arith.constant 0 : i32
      %dma_start3A_229 = tpu.memref_slice %arg4[%add3A_227, %dma_start3A_228] : memref<204800x128xf32, #tpu.memory_space<hbm>> -> memref<80x128xf32, #tpu.memory_space<hbm>>
      %dma_start3A_230 = arith.constant 0 : i32
      %dma_start3A_231 = tpu.memref_slice %arg4[%add3A_227, %dma_start3A_230] : memref<204800x128xf32, #tpu.memory_space<hbm>> -> memref<80x128xf32, #tpu.memory_space<hbm>>
      tpu.enqueue_dma source(%arg10 : memref<80x128xf32, #tpu.memory_space<vmem>>) target(%dma_start3A_231 : memref<80x128xf32, #tpu.memory_space<hbm>>) target_semaphore(%arg26 : memref<!tpu.dma_semaphore, #tpu.memory_space<semaphore_mem>>)
      %dma_wait3A_232 = arith.constant 0 : i32
      %dma_wait3A_233 = tpu.memref_slice %arg4[%mul3A_2, %dma_wait3A_232] : memref<204800x128xf32, #tpu.memory_space<hbm>> -> memref<80x128xf32, #tpu.memory_space<hbm>>
      %dma_wait3A_234 = arith.constant 0 : i32
      %dma_wait3A_235 = tpu.memref_slice %arg4[%mul3A_2, %dma_wait3A_234] : memref<204800x128xf32, #tpu.memory_space<hbm>> -> memref<80x128xf32, #tpu.memory_space<hbm>>
      tpu.wait_dma2 semaphore(%arg23 : memref<!tpu.dma_semaphore, #tpu.memory_space<semaphore_mem>>) src(%arg7 : memref<80x128xf32, #tpu.memory_space<vmem>>) dst(%dma_wait3A_235 : memref<80x128xf32, #tpu.memory_space<hbm>>)
      %add3A_236 = arith.constant 5 : i32
      %add3A_237 = arith.addi %add3A_218, %add3A_236 : i32
      %mul3A_238 = arith.constant 80 : i32
      %mul3A_239 = arith.muli %add3A_237, %mul3A_238 : i32
      %dma_start3A_240 = tpu.memref_slice %arg5[%mul3A_239] : memref<6400xi32, #tpu.memory_space<vmem>> -> memref<80xi32, #tpu.memory_space<vmem>>
      %dma_start3A_241 = arith.constant 0 : i32
      %dma_start3A_242 = arith.constant 0 : i32
      %dma_start3A_243 = tpu.memref_slice %arg30[%dma_start3A_241, %dma_start3A_242] : memref<5000x128xf32, #tpu.memory_space<vmem_shared>> -> memref<5000x128xf32, #tpu.memory_space<vmem_shared>>
      tpu.enqueue_indirect_dma source(%dma_start3A_243 : memref<5000x128xf32, #tpu.memory_space<vmem_shared>>) target(%arg7 : memref<80x128xf32, #tpu.memory_space<vmem>>) offsets(%dma_start3A_240 : memref<80xi32, #tpu.memory_space<vmem>>) semaphore(%arg15 : memref<!tpu.dma_semaphore, #tpu.memory_space<semaphore_mem>>)
      %mul3A_244 = arith.constant 8 : i32
      %mul3A_245 = arith.muli %mul3A_244, %scan3A_181 : i32
      %add3A_246 = arith.constant 3 : i32
      %add3A_247 = arith.addi %add3A_246, %mul3A_245 : i32
      %add3A_248 = arith.constant 2 : i32
      %add3A_249 = arith.addi %add3A_247, %add3A_248 : i32
      %dma_wait3A_250 = arith.constant 0 : i32
      %dma_wait3A_251 = arith.constant 0 : i32
      %dma_wait3A_252 = tpu.memref_slice %arg3[%dma_wait3A_250, %dma_wait3A_251] : memref<5000x128xf32, #tpu.memory_space<hbm>> -> memref<80x128xf32, #tpu.memory_space<hbm>>
      %dma_wait3A_253 = arith.constant 0 : i32
      %dma_wait3A_254 = arith.constant 0 : i32
      %dma_wait3A_255 = tpu.memref_slice %arg3[%dma_wait3A_253, %dma_wait3A_254] : memref<5000x128xf32, #tpu.memory_space<hbm>> -> memref<80x128xf32, #tpu.memory_space<hbm>>
      tpu.wait_dma2 semaphore(%arg19 : memref<!tpu.dma_semaphore, #tpu.memory_space<semaphore_mem>>) src(%dma_wait3A_255 : memref<80x128xf32, #tpu.memory_space<hbm>>) dst(%arg11 : memref<80x128xf32, #tpu.memory_space<vmem>>)
      %mul3A_256 = arith.constant 80 : i32
      %mul3A_257 = arith.muli %add3A_249, %mul3A_256 : i32
      %add3A_258 = arith.addi %mul3A_2, %mul3A_257 : i32
      %dma_start3A_259 = arith.constant 0 : i32
      %dma_start3A_260 = tpu.memref_slice %arg4[%add3A_258, %dma_start3A_259] : memref<204800x128xf32, #tpu.memory_space<hbm>> -> memref<80x128xf32, #tpu.memory_space<hbm>>
      %dma_start3A_261 = arith.constant 0 : i32
      %dma_start3A_262 = tpu.memref_slice %arg4[%add3A_258, %dma_start3A_261] : memref<204800x128xf32, #tpu.memory_space<hbm>> -> memref<80x128xf32, #tpu.memory_space<hbm>>
      tpu.enqueue_dma source(%arg11 : memref<80x128xf32, #tpu.memory_space<vmem>>) target(%dma_start3A_262 : memref<80x128xf32, #tpu.memory_space<hbm>>) target_semaphore(%arg27 : memref<!tpu.dma_semaphore, #tpu.memory_space<semaphore_mem>>)
      %dma_wait3A_263 = arith.constant 0 : i32
      %dma_wait3A_264 = tpu.memref_slice %arg4[%mul3A_2, %dma_wait3A_263] : memref<204800x128xf32, #tpu.memory_space<hbm>> -> memref<80x128xf32, #tpu.memory_space<hbm>>
      %dma_wait3A_265 = arith.constant 0 : i32
      %dma_wait3A_266 = tpu.memref_slice %arg4[%mul3A_2, %dma_wait3A_265] : memref<204800x128xf32, #tpu.memory_space<hbm>> -> memref<80x128xf32, #tpu.memory_space<hbm>>
      tpu.wait_dma2 semaphore(%arg24 : memref<!tpu.dma_semaphore, #tpu.memory_space<semaphore_mem>>) src(%arg8 : memref<80x128xf32, #tpu.memory_space<vmem>>) dst(%dma_wait3A_266 : memref<80x128xf32, #tpu.memory_space<hbm>>)
      %add3A_267 = arith.constant 5 : i32
      %add3A_268 = arith.addi %add3A_249, %add3A_267 : i32
      %mul3A_269 = arith.constant 80 : i32
      %mul3A_270 = arith.muli %add3A_268, %mul3A_269 : i32
      %dma_start3A_271 = tpu.memref_slice %arg5[%mul3A_270] : memref<6400xi32, #tpu.memory_space<vmem>> -> memref<80xi32, #tpu.memory_space<vmem>>
      %dma_start3A_272 = arith.constant 0 : i32
      %dma_start3A_273 = arith.constant 0 : i32
      %dma_start3A_274 = tpu.memref_slice %arg30[%dma_start3A_272, %dma_start3A_273] : memref<5000x128xf32, #tpu.memory_space<vmem_shared>> -> memref<5000x128xf32, #tpu.memory_space<vmem_shared>>
      tpu.enqueue_indirect_dma source(%dma_start3A_274 : memref<5000x128xf32, #tpu.memory_space<vmem_shared>>) target(%arg8 : memref<80x128xf32, #tpu.memory_space<vmem>>) offsets(%dma_start3A_271 : memref<80xi32, #tpu.memory_space<vmem>>) semaphore(%arg16 : memref<!tpu.dma_semaphore, #tpu.memory_space<semaphore_mem>>)
      %mul3A_275 = arith.constant 8 : i32
      %mul3A_276 = arith.muli %mul3A_275, %scan3A_181 : i32
      %add3A_277 = arith.constant 3 : i32
      %add3A_278 = arith.addi %add3A_277, %mul3A_276 : i32
      %add3A_279 = arith.constant 3 : i32
      %add3A_280 = arith.addi %add3A_278, %add3A_279 : i32
      %dma_wait3A_281 = arith.constant 0 : i32
      %dma_wait3A_282 = arith.constant 0 : i32
      %dma_wait3A_283 = tpu.memref_slice %arg3[%dma_wait3A_281, %dma_wait3A_282] : memref<5000x128xf32, #tpu.memory_space<hbm>> -> memref<80x128xf32, #tpu.memory_space<hbm>>
      %dma_wait3A_284 = arith.constant 0 : i32
      %dma_wait3A_285 = arith.constant 0 : i32
      %dma_wait3A_286 = tpu.memref_slice %arg3[%dma_wait3A_284, %dma_wait3A_285] : memref<5000x128xf32, #tpu.memory_space<hbm>> -> memref<80x128xf32, #tpu.memory_space<hbm>>
      tpu.wait_dma2 semaphore(%arg20 : memref<!tpu.dma_semaphore, #tpu.memory_space<semaphore_mem>>) src(%dma_wait3A_286 : memref<80x128xf32, #tpu.memory_space<hbm>>) dst(%arg12 : memref<80x128xf32, #tpu.memory_space<vmem>>)
      %mul3A_287 = arith.constant 80 : i32
      %mul3A_288 = arith.muli %add3A_280, %mul3A_287 : i32
      %add3A_289 = arith.addi %mul3A_2, %mul3A_288 : i32
      %dma_start3A_290 = arith.constant 0 : i32
      %dma_start3A_291 = tpu.memref_slice %arg4[%add3A_289, %dma_start3A_290] : memref<204800x128xf32, #tpu.memory_space<hbm>> -> memref<80x128xf32, #tpu.memory_space<hbm>>
      %dma_start3A_292 = arith.constant 0 : i32
      %dma_start3A_293 = tpu.memref_slice %arg4[%add3A_289, %dma_start3A_292] : memref<204800x128xf32, #tpu.memory_space<hbm>> -> memref<80x128xf32, #tpu.memory_space<hbm>>
      tpu.enqueue_dma source(%arg12 : memref<80x128xf32, #tpu.memory_space<vmem>>) target(%dma_start3A_293 : memref<80x128xf32, #tpu.memory_space<hbm>>) target_semaphore(%arg28 : memref<!tpu.dma_semaphore, #tpu.memory_space<semaphore_mem>>)
      %dma_wait3A_294 = arith.constant 0 : i32
      %dma_wait3A_295 = tpu.memref_slice %arg4[%mul3A_2, %dma_wait3A_294] : memref<204800x128xf32, #tpu.memory_space<hbm>> -> memref<80x128xf32, #tpu.memory_space<hbm>>
      %dma_wait3A_296 = arith.constant 0 : i32
      %dma_wait3A_297 = tpu.memref_slice %arg4[%mul3A_2, %dma_wait3A_296] : memref<204800x128xf32, #tpu.memory_space<hbm>> -> memref<80x128xf32, #tpu.memory_space<hbm>>
      tpu.wait_dma2 semaphore(%arg25 : memref<!tpu.dma_semaphore, #tpu.memory_space<semaphore_mem>>) src(%arg9 : memref<80x128xf32, #tpu.memory_space<vmem>>) dst(%dma_wait3A_297 : memref<80x128xf32, #tpu.memory_space<hbm>>)
      %add3A_298 = arith.constant 5 : i32
      %add3A_299 = arith.addi %add3A_280, %add3A_298 : i32
      %mul3A_300 = arith.constant 80 : i32
      %mul3A_301 = arith.muli %add3A_299, %mul3A_300 : i32
      %dma_start3A_302 = tpu.memref_slice %arg5[%mul3A_301] : memref<6400xi32, #tpu.memory_space<vmem>> -> memref<80xi32, #tpu.memory_space<vmem>>
      %dma_start3A_303 = arith.constant 0 : i32
      %dma_start3A_304 = arith.constant 0 : i32
      %dma_start3A_305 = tpu.memref_slice %arg30[%dma_start3A_303, %dma_start3A_304] : memref<5000x128xf32, #tpu.memory_space<vmem_shared>> -> memref<5000x128xf32, #tpu.memory_space<vmem_shared>>
      tpu.enqueue_indirect_dma source(%dma_start3A_305 : memref<5000x128xf32, #tpu.memory_space<vmem_shared>>) target(%arg9 : memref<80x128xf32, #tpu.memory_space<vmem>>) offsets(%dma_start3A_302 : memref<80xi32, #tpu.memory_space<vmem>>) semaphore(%arg17 : memref<!tpu.dma_semaphore, #tpu.memory_space<semaphore_mem>>)
      %mul3A_306 = arith.constant 8 : i32
      %mul3A_307 = arith.muli %mul3A_306, %scan3A_181 : i32
      %add3A_308 = arith.constant 3 : i32
      %add3A_309 = arith.addi %add3A_308, %mul3A_307 : i32
      %add3A_310 = arith.constant 4 : i32
      %add3A_311 = arith.addi %add3A_309, %add3A_310 : i32
      %dma_wait3A_312 = arith.constant 0 : i32
      %dma_wait3A_313 = arith.constant 0 : i32
      %dma_wait3A_314 = tpu.memref_slice %arg3[%dma_wait3A_312, %dma_wait3A_313] : memref<5000x128xf32, #tpu.memory_space<hbm>> -> memref<80x128xf32, #tpu.memory_space<hbm>>
      %dma_wait3A_315 = arith.constant 0 : i32
      %dma_wait3A_316 = arith.constant 0 : i32
      %dma_wait3A_317 = tpu.memref_slice %arg3[%dma_wait3A_315, %dma_wait3A_316] : memref<5000x128xf32, #tpu.memory_space<hbm>> -> memref<80x128xf32, #tpu.memory_space<hbm>>
      tpu.wait_dma2 semaphore(%arg21 : memref<!tpu.dma_semaphore, #tpu.memory_space<semaphore_mem>>) src(%dma_wait3A_317 : memref<80x128xf32, #tpu.memory_space<hbm>>) dst(%arg13 : memref<80x128xf32, #tpu.memory_space<vmem>>)
      %mul3A_318 = arith.constant 80 : i32
      %mul3A_319 = arith.muli %add3A_311, %mul3A_318 : i32
      %add3A_320 = arith.addi %mul3A_2, %mul3A_319 : i32
      %dma_start3A_321 = arith.constant 0 : i32
      %dma_start3A_322 = tpu.memref_slice %arg4[%add3A_320, %dma_start3A_321] : memref<204800x128xf32, #tpu.memory_space<hbm>> -> memref<80x128xf32, #tpu.memory_space<hbm>>
      %dma_start3A_323 = arith.constant 0 : i32
      %dma_start3A_324 = tpu.memref_slice %arg4[%add3A_320, %dma_start3A_323] : memref<204800x128xf32, #tpu.memory_space<hbm>> -> memref<80x128xf32, #tpu.memory_space<hbm>>
      tpu.enqueue_dma source(%arg13 : memref<80x128xf32, #tpu.memory_space<vmem>>) target(%dma_start3A_324 : memref<80x128xf32, #tpu.memory_space<hbm>>) target_semaphore(%arg29 : memref<!tpu.dma_semaphore, #tpu.memory_space<semaphore_mem>>)
      %dma_wait3A_325 = arith.constant 0 : i32
      %dma_wait3A_326 = tpu.memref_slice %arg4[%mul3A_2, %dma_wait3A_325] : memref<204800x128xf32, #tpu.memory_space<hbm>> -> memref<80x128xf32, #tpu.memory_space<hbm>>
      %dma_wait3A_327 = arith.constant 0 : i32
      %dma_wait3A_328 = tpu.memref_slice %arg4[%mul3A_2, %dma_wait3A_327] : memref<204800x128xf32, #tpu.memory_space<hbm>> -> memref<80x128xf32, #tpu.memory_space<hbm>>
      tpu.wait_dma2 semaphore(%arg26 : memref<!tpu.dma_semaphore, #tpu.memory_space<semaphore_mem>>) src(%arg10 : memref<80x128xf32, #tpu.memory_space<vmem>>) dst(%dma_wait3A_328 : memref<80x128xf32, #tpu.memory_space<hbm>>)
      %add3A_329 = arith.constant 5 : i32
      %add3A_330 = arith.addi %add3A_311, %add3A_329 : i32
      %mul3A_331 = arith.constant 80 : i32
      %mul3A_332 = arith.muli %add3A_330, %mul3A_331 : i32
      %dma_start3A_333 = tpu.memref_slice %arg5[%mul3A_332] : memref<6400xi32, #tpu.memory_space<vmem>> -> memref<80xi32, #tpu.memory_space<vmem>>
      %dma_start3A_334 = arith.constant 0 : i32
      %dma_start3A_335 = arith.constant 0 : i32
      %dma_start3A_336 = tpu.memref_slice %arg30[%dma_start3A_334, %dma_start3A_335] : memref<5000x128xf32, #tpu.memory_space<vmem_shared>> -> memref<5000x128xf32, #tpu.memory_space<vmem_shared>>
      tpu.enqueue_indirect_dma source(%dma_start3A_336 : memref<5000x128xf32, #tpu.memory_space<vmem_shared>>) target(%arg10 : memref<80x128xf32, #tpu.memory_space<vmem>>) offsets(%dma_start3A_333 : memref<80xi32, #tpu.memory_space<vmem>>) semaphore(%arg18 : memref<!tpu.dma_semaphore, #tpu.memory_space<semaphore_mem>>)
      %mul3A_337 = arith.constant 8 : i32
      %mul3A_338 = arith.muli %mul3A_337, %scan3A_181 : i32
      %add3A_339 = arith.constant 3 : i32
      %add3A_340 = arith.addi %add3A_339, %mul3A_338 : i32
      %add3A_341 = arith.constant 5 : i32
      %add3A_342 = arith.addi %add3A_340, %add3A_341 : i32
      %dma_wait3A_343 = arith.constant 0 : i32
      %dma_wait3A_344 = arith.constant 0 : i32
      %dma_wait3A_345 = tpu.memref_slice %arg3[%dma_wait3A_343, %dma_wait3A_344] : memref<5000x128xf32, #tpu.memory_space<hbm>> -> memref<80x128xf32, #tpu.memory_space<hbm>>
      %dma_wait3A_346 = arith.constant 0 : i32
      %dma_wait3A_347 = arith.constant 0 : i32
      %dma_wait3A_348 = tpu.memref_slice %arg3[%dma_wait3A_346, %dma_wait3A_347] : memref<5000x128xf32, #tpu.memory_space<hbm>> -> memref<80x128xf32, #tpu.memory_space<hbm>>
      tpu.wait_dma2 semaphore(%arg14 : memref<!tpu.dma_semaphore, #tpu.memory_space<semaphore_mem>>) src(%dma_wait3A_348 : memref<80x128xf32, #tpu.memory_space<hbm>>) dst(%arg6 : memref<80x128xf32, #tpu.memory_space<vmem>>)
      %mul3A_349 = arith.constant 80 : i32
      %mul3A_350 = arith.muli %add3A_342, %mul3A_349 : i32
      %add3A_351 = arith.addi %mul3A_2, %mul3A_350 : i32
      %dma_start3A_352 = arith.constant 0 : i32
      %dma_start3A_353 = tpu.memref_slice %arg4[%add3A_351, %dma_start3A_352] : memref<204800x128xf32, #tpu.memory_space<hbm>> -> memref<80x128xf32, #tpu.memory_space<hbm>>
      %dma_start3A_354 = arith.constant 0 : i32
      %dma_start3A_355 = tpu.memref_slice %arg4[%add3A_351, %dma_start3A_354] : memref<204800x128xf32, #tpu.memory_space<hbm>> -> memref<80x128xf32, #tpu.memory_space<hbm>>
      tpu.enqueue_dma source(%arg6 : memref<80x128xf32, #tpu.memory_space<vmem>>) target(%dma_start3A_355 : memref<80x128xf32, #tpu.memory_space<hbm>>) target_semaphore(%arg22 : memref<!tpu.dma_semaphore, #tpu.memory_space<semaphore_mem>>)
      %dma_wait3A_356 = arith.constant 0 : i32
      %dma_wait3A_357 = tpu.memref_slice %arg4[%mul3A_2, %dma_wait3A_356] : memref<204800x128xf32, #tpu.memory_space<hbm>> -> memref<80x128xf32, #tpu.memory_space<hbm>>
      %dma_wait3A_358 = arith.constant 0 : i32
      %dma_wait3A_359 = tpu.memref_slice %arg4[%mul3A_2, %dma_wait3A_358] : memref<204800x128xf32, #tpu.memory_space<hbm>> -> memref<80x128xf32, #tpu.memory_space<hbm>>
      tpu.wait_dma2 semaphore(%arg27 : memref<!tpu.dma_semaphore, #tpu.memory_space<semaphore_mem>>) src(%arg11 : memref<80x128xf32, #tpu.memory_space<vmem>>) dst(%dma_wait3A_359 : memref<80x128xf32, #tpu.memory_space<hbm>>)
      %add3A_360 = arith.constant 5 : i32
      %add3A_361 = arith.addi %add3A_342, %add3A_360 : i32
      %mul3A_362 = arith.constant 80 : i32
      %mul3A_363 = arith.muli %add3A_361, %mul3A_362 : i32
      %dma_start3A_364 = tpu.memref_slice %arg5[%mul3A_363] : memref<6400xi32, #tpu.memory_space<vmem>> -> memref<80xi32, #tpu.memory_space<vmem>>
      %dma_start3A_365 = arith.constant 0 : i32
      %dma_start3A_366 = arith.constant 0 : i32
      %dma_start3A_367 = tpu.memref_slice %arg30[%dma_start3A_365, %dma_start3A_366] : memref<5000x128xf32, #tpu.memory_space<vmem_shared>> -> memref<5000x128xf32, #tpu.memory_space<vmem_shared>>
      tpu.enqueue_indirect_dma source(%dma_start3A_367 : memref<5000x128xf32, #tpu.memory_space<vmem_shared>>) target(%arg11 : memref<80x128xf32, #tpu.memory_space<vmem>>) offsets(%dma_start3A_364 : memref<80xi32, #tpu.memory_space<vmem>>) semaphore(%arg19 : memref<!tpu.dma_semaphore, #tpu.memory_space<semaphore_mem>>)
      %mul3A_368 = arith.constant 8 : i32
      %mul3A_369 = arith.muli %mul3A_368, %scan3A_181 : i32
      %add3A_370 = arith.constant 3 : i32
      %add3A_371 = arith.addi %add3A_370, %mul3A_369 : i32
      %add3A_372 = arith.constant 6 : i32
      %add3A_373 = arith.addi %add3A_371, %add3A_372 : i32
      %dma_wait3A_374 = arith.constant 0 : i32
      %dma_wait3A_375 = arith.constant 0 : i32
      %dma_wait3A_376 = tpu.memref_slice %arg3[%dma_wait3A_374, %dma_wait3A_375] : memref<5000x128xf32, #tpu.memory_space<hbm>> -> memref<80x128xf32, #tpu.memory_space<hbm>>
      %dma_wait3A_377 = arith.constant 0 : i32
      %dma_wait3A_378 = arith.constant 0 : i32
      %dma_wait3A_379 = tpu.memref_slice %arg3[%dma_wait3A_377, %dma_wait3A_378] : memref<5000x128xf32, #tpu.memory_space<hbm>> -> memref<80x128xf32, #tpu.memory_space<hbm>>
      tpu.wait_dma2 semaphore(%arg15 : memref<!tpu.dma_semaphore, #tpu.memory_space<semaphore_mem>>) src(%dma_wait3A_379 : memref<80x128xf32, #tpu.memory_space<hbm>>) dst(%arg7 : memref<80x128xf32, #tpu.memory_space<vmem>>)
      %mul3A_380 = arith.constant 80 : i32
      %mul3A_381 = arith.muli %add3A_373, %mul3A_380 : i32
      %add3A_382 = arith.addi %mul3A_2, %mul3A_381 : i32
      %dma_start3A_383 = arith.constant 0 : i32
      %dma_start3A_384 = tpu.memref_slice %arg4[%add3A_382, %dma_start3A_383] : memref<204800x128xf32, #tpu.memory_space<hbm>> -> memref<80x128xf32, #tpu.memory_space<hbm>>
      %dma_start3A_385 = arith.constant 0 : i32
      %dma_start3A_386 = tpu.memref_slice %arg4[%add3A_382, %dma_start3A_385] : memref<204800x128xf32, #tpu.memory_space<hbm>> -> memref<80x128xf32, #tpu.memory_space<hbm>>
      tpu.enqueue_dma source(%arg7 : memref<80x128xf32, #tpu.memory_space<vmem>>) target(%dma_start3A_386 : memref<80x128xf32, #tpu.memory_space<hbm>>) target_semaphore(%arg23 : memref<!tpu.dma_semaphore, #tpu.memory_space<semaphore_mem>>)
      %dma_wait3A_387 = arith.constant 0 : i32
      %dma_wait3A_388 = tpu.memref_slice %arg4[%mul3A_2, %dma_wait3A_387] : memref<204800x128xf32, #tpu.memory_space<hbm>> -> memref<80x128xf32, #tpu.memory_space<hbm>>
      %dma_wait3A_389 = arith.constant 0 : i32
      %dma_wait3A_390 = tpu.memref_slice %arg4[%mul3A_2, %dma_wait3A_389] : memref<204800x128xf32, #tpu.memory_space<hbm>> -> memref<80x128xf32, #tpu.memory_space<hbm>>
      tpu.wait_dma2 semaphore(%arg28 : memref<!tpu.dma_semaphore, #tpu.memory_space<semaphore_mem>>) src(%arg12 : memref<80x128xf32, #tpu.memory_space<vmem>>) dst(%dma_wait3A_390 : memref<80x128xf32, #tpu.memory_space<hbm>>)
      %add3A_391 = arith.constant 5 : i32
      %add3A_392 = arith.addi %add3A_373, %add3A_391 : i32
      %mul3A_393 = arith.constant 80 : i32
      %mul3A_394 = arith.muli %add3A_392, %mul3A_393 : i32
      %dma_start3A_395 = tpu.memref_slice %arg5[%mul3A_394] : memref<6400xi32, #tpu.memory_space<vmem>> -> memref<80xi32, #tpu.memory_space<vmem>>
      %dma_start3A_396 = arith.constant 0 : i32
      %dma_start3A_397 = arith.constant 0 : i32
      %dma_start3A_398 = tpu.memref_slice %arg30[%dma_start3A_396, %dma_start3A_397] : memref<5000x128xf32, #tpu.memory_space<vmem_shared>> -> memref<5000x128xf32, #tpu.memory_space<vmem_shared>>
      tpu.enqueue_indirect_dma source(%dma_start3A_398 : memref<5000x128xf32, #tpu.memory_space<vmem_shared>>) target(%arg12 : memref<80x128xf32, #tpu.memory_space<vmem>>) offsets(%dma_start3A_395 : memref<80xi32, #tpu.memory_space<vmem>>) semaphore(%arg20 : memref<!tpu.dma_semaphore, #tpu.memory_space<semaphore_mem>>)
      %mul3A_399 = arith.constant 8 : i32
      %mul3A_400 = arith.muli %mul3A_399, %scan3A_181 : i32
      %add3A_401 = arith.constant 3 : i32
      %add3A_402 = arith.addi %add3A_401, %mul3A_400 : i32
      %add3A_403 = arith.constant 7 : i32
      %add3A_404 = arith.addi %add3A_402, %add3A_403 : i32
      %dma_wait3A_405 = arith.constant 0 : i32
      %dma_wait3A_406 = arith.constant 0 : i32
      %dma_wait3A_407 = tpu.memref_slice %arg3[%dma_wait3A_405, %dma_wait3A_406] : memref<5000x128xf32, #tpu.memory_space<hbm>> -> memref<80x128xf32, #tpu.memory_space<hbm>>
      %dma_wait3A_408 = arith.constant 0 : i32
      %dma_wait3A_409 = arith.constant 0 : i32
      %dma_wait3A_410 = tpu.memref_slice %arg3[%dma_wait3A_408, %dma_wait3A_409] : memref<5000x128xf32, #tpu.memory_space<hbm>> -> memref<80x128xf32, #tpu.memory_space<hbm>>
      tpu.wait_dma2 semaphore(%arg16 : memref<!tpu.dma_semaphore, #tpu.memory_space<semaphore_mem>>) src(%dma_wait3A_410 : memref<80x128xf32, #tpu.memory_space<hbm>>) dst(%arg8 : memref<80x128xf32, #tpu.memory_space<vmem>>)
      %mul3A_411 = arith.constant 80 : i32
      %mul3A_412 = arith.muli %add3A_404, %mul3A_411 : i32
      %add3A_413 = arith.addi %mul3A_2, %mul3A_412 : i32
      %dma_start3A_414 = arith.constant 0 : i32
      %dma_start3A_415 = tpu.memref_slice %arg4[%add3A_413, %dma_start3A_414] : memref<204800x128xf32, #tpu.memory_space<hbm>> -> memref<80x128xf32, #tpu.memory_space<hbm>>
      %dma_start3A_416 = arith.constant 0 : i32
      %dma_start3A_417 = tpu.memref_slice %arg4[%add3A_413, %dma_start3A_416] : memref<204800x128xf32, #tpu.memory_space<hbm>> -> memref<80x128xf32, #tpu.memory_space<hbm>>
      tpu.enqueue_dma source(%arg8 : memref<80x128xf32, #tpu.memory_space<vmem>>) target(%dma_start3A_417 : memref<80x128xf32, #tpu.memory_space<hbm>>) target_semaphore(%arg24 : memref<!tpu.dma_semaphore, #tpu.memory_space<semaphore_mem>>)
      %dma_wait3A_418 = arith.constant 0 : i32
      %dma_wait3A_419 = tpu.memref_slice %arg4[%mul3A_2, %dma_wait3A_418] : memref<204800x128xf32, #tpu.memory_space<hbm>> -> memref<80x128xf32, #tpu.memory_space<hbm>>
      %dma_wait3A_420 = arith.constant 0 : i32
      %dma_wait3A_421 = tpu.memref_slice %arg4[%mul3A_2, %dma_wait3A_420] : memref<204800x128xf32, #tpu.memory_space<hbm>> -> memref<80x128xf32, #tpu.memory_space<hbm>>
      tpu.wait_dma2 semaphore(%arg29 : memref<!tpu.dma_semaphore, #tpu.memory_space<semaphore_mem>>) src(%arg13 : memref<80x128xf32, #tpu.memory_space<vmem>>) dst(%dma_wait3A_421 : memref<80x128xf32, #tpu.memory_space<hbm>>)
      %add3A_422 = arith.constant 5 : i32
      %add3A_423 = arith.addi %add3A_404, %add3A_422 : i32
      %mul3A_424 = arith.constant 80 : i32
      %mul3A_425 = arith.muli %add3A_423, %mul3A_424 : i32
      %dma_start3A_426 = tpu.memref_slice %arg5[%mul3A_425] : memref<6400xi32, #tpu.memory_space<vmem>> -> memref<80xi32, #tpu.memory_space<vmem>>
      %dma_start3A_427 = arith.constant 0 : i32
      %dma_start3A_428 = arith.constant 0 : i32
      %dma_start3A_429 = tpu.memref_slice %arg30[%dma_start3A_427, %dma_start3A_428] : memref<5000x128xf32, #tpu.memory_space<vmem_shared>> -> memref<5000x128xf32, #tpu.memory_space<vmem_shared>>
      tpu.enqueue_indirect_dma source(%dma_start3A_429 : memref<5000x128xf32, #tpu.memory_space<vmem_shared>>) target(%arg13 : memref<80x128xf32, #tpu.memory_space<vmem>>) offsets(%dma_start3A_426 : memref<80xi32, #tpu.memory_space<vmem>>) semaphore(%arg21 : memref<!tpu.dma_semaphore, #tpu.memory_space<semaphore_mem>>)
    }
    %scan3A_88 = arith.constant 9 : i32
    %dma_wait3A_89 = arith.constant 0 : i32
    %dma_wait3A_90 = arith.constant 0 : i32
    %dma_wait3A_91 = tpu.memref_slice %arg3[%dma_wait3A_89, %dma_wait3A_90] : memref<5000x128xf32, #tpu.memory_space<hbm>> -> memref<80x128xf32, #tpu.memory_space<hbm>>
    %dma_wait3A_92 = arith.constant 0 : i32
    %dma_wait3A_93 = arith.constant 0 : i32
    %dma_wait3A_94 = tpu.memref_slice %arg3[%dma_wait3A_92, %dma_wait3A_93] : memref<5000x128xf32, #tpu.memory_space<hbm>> -> memref<80x128xf32, #tpu.memory_space<hbm>>
    tpu.wait_dma2 semaphore(%arg17 : memref<!tpu.dma_semaphore, #tpu.memory_space<semaphore_mem>>) src(%dma_wait3A_94 : memref<80x128xf32, #tpu.memory_space<hbm>>) dst(%arg9 : memref<80x128xf32, #tpu.memory_space<vmem>>)
    %add3A_95 = arith.constant 6000 : i32
    %add3A_96 = arith.addi %mul3A_2, %add3A_95 : i32
    %dma_start3A_97 = arith.constant 0 : i32
    %dma_start3A_98 = tpu.memref_slice %arg4[%add3A_96, %dma_start3A_97] : memref<204800x128xf32, #tpu.memory_space<hbm>> -> memref<80x128xf32, #tpu.memory_space<hbm>>
    %dma_start3A_99 = arith.constant 0 : i32
    %dma_start3A_100 = tpu.memref_slice %arg4[%add3A_96, %dma_start3A_99] : memref<204800x128xf32, #tpu.memory_space<hbm>> -> memref<80x128xf32, #tpu.memory_space<hbm>>
    tpu.enqueue_dma source(%arg9 : memref<80x128xf32, #tpu.memory_space<vmem>>) target(%dma_start3A_100 : memref<80x128xf32, #tpu.memory_space<hbm>>) target_semaphore(%arg25 : memref<!tpu.dma_semaphore, #tpu.memory_space<semaphore_mem>>)
    %dma_wait3A_101 = arith.constant 0 : i32
    %dma_wait3A_102 = tpu.memref_slice %arg4[%mul3A_2, %dma_wait3A_101] : memref<204800x128xf32, #tpu.memory_space<hbm>> -> memref<80x128xf32, #tpu.memory_space<hbm>>
    %dma_wait3A_103 = arith.constant 0 : i32
    %dma_wait3A_104 = tpu.memref_slice %arg4[%mul3A_2, %dma_wait3A_103] : memref<204800x128xf32, #tpu.memory_space<hbm>> -> memref<80x128xf32, #tpu.memory_space<hbm>>
    tpu.wait_dma2 semaphore(%arg22 : memref<!tpu.dma_semaphore, #tpu.memory_space<semaphore_mem>>) src(%arg6 : memref<80x128xf32, #tpu.memory_space<vmem>>) dst(%dma_wait3A_104 : memref<80x128xf32, #tpu.memory_space<hbm>>)
    %dma_wait3A_105 = arith.constant 0 : i32
    %dma_wait3A_106 = arith.constant 0 : i32
    %dma_wait3A_107 = tpu.memref_slice %arg3[%dma_wait3A_105, %dma_wait3A_106] : memref<5000x128xf32, #tpu.memory_space<hbm>> -> memref<80x128xf32, #tpu.memory_space<hbm>>
    %dma_wait3A_108 = arith.constant 0 : i32
    %dma_wait3A_109 = arith.constant 0 : i32
    %dma_wait3A_110 = tpu.memref_slice %arg3[%dma_wait3A_108, %dma_wait3A_109] : memref<5000x128xf32, #tpu.memory_space<hbm>> -> memref<80x128xf32, #tpu.memory_space<hbm>>
    tpu.wait_dma2 semaphore(%arg18 : memref<!tpu.dma_semaphore, #tpu.memory_space<semaphore_mem>>) src(%dma_wait3A_110 : memref<80x128xf32, #tpu.memory_space<hbm>>) dst(%arg10 : memref<80x128xf32, #tpu.memory_space<vmem>>)
    %add3A_111 = arith.constant 6080 : i32
    %add3A_112 = arith.addi %mul3A_2, %add3A_111 : i32
    %dma_start3A_113 = arith.constant 0 : i32
    %dma_start3A_114 = tpu.memref_slice %arg4[%add3A_112, %dma_start3A_113] : memref<204800x128xf32, #tpu.memory_space<hbm>> -> memref<80x128xf32, #tpu.memory_space<hbm>>
    %dma_start3A_115 = arith.constant 0 : i32
    %dma_start3A_116 = tpu.memref_slice %arg4[%add3A_112, %dma_start3A_115] : memref<204800x128xf32, #tpu.memory_space<hbm>> -> memref<80x128xf32, #tpu.memory_space<hbm>>
    tpu.enqueue_dma source(%arg10 : memref<80x128xf32, #tpu.memory_space<vmem>>) target(%dma_start3A_116 : memref<80x128xf32, #tpu.memory_space<hbm>>) target_semaphore(%arg26 : memref<!tpu.dma_semaphore, #tpu.memory_space<semaphore_mem>>)
    %dma_wait3A_117 = arith.constant 0 : i32
    %dma_wait3A_118 = tpu.memref_slice %arg4[%mul3A_2, %dma_wait3A_117] : memref<204800x128xf32, #tpu.memory_space<hbm>> -> memref<80x128xf32, #tpu.memory_space<hbm>>
    %dma_wait3A_119 = arith.constant 0 : i32
    %dma_wait3A_120 = tpu.memref_slice %arg4[%mul3A_2, %dma_wait3A_119] : memref<204800x128xf32, #tpu.memory_space<hbm>> -> memref<80x128xf32, #tpu.memory_space<hbm>>
    tpu.wait_dma2 semaphore(%arg23 : memref<!tpu.dma_semaphore, #tpu.memory_space<semaphore_mem>>) src(%arg7 : memref<80x128xf32, #tpu.memory_space<vmem>>) dst(%dma_wait3A_120 : memref<80x128xf32, #tpu.memory_space<hbm>>)
    %dma_wait3A_121 = arith.constant 0 : i32
    %dma_wait3A_122 = arith.constant 0 : i32
    %dma_wait3A_123 = tpu.memref_slice %arg3[%dma_wait3A_121, %dma_wait3A_122] : memref<5000x128xf32, #tpu.memory_space<hbm>> -> memref<80x128xf32, #tpu.memory_space<hbm>>
    %dma_wait3A_124 = arith.constant 0 : i32
    %dma_wait3A_125 = arith.constant 0 : i32
    %dma_wait3A_126 = tpu.memref_slice %arg3[%dma_wait3A_124, %dma_wait3A_125] : memref<5000x128xf32, #tpu.memory_space<hbm>> -> memref<80x128xf32, #tpu.memory_space<hbm>>
    tpu.wait_dma2 semaphore(%arg19 : memref<!tpu.dma_semaphore, #tpu.memory_space<semaphore_mem>>) src(%dma_wait3A_126 : memref<80x128xf32, #tpu.memory_space<hbm>>) dst(%arg11 : memref<80x128xf32, #tpu.memory_space<vmem>>)
    %add3A_127 = arith.constant 6160 : i32
    %add3A_128 = arith.addi %mul3A_2, %add3A_127 : i32
    %dma_start3A_129 = arith.constant 0 : i32
    %dma_start3A_130 = tpu.memref_slice %arg4[%add3A_128, %dma_start3A_129] : memref<204800x128xf32, #tpu.memory_space<hbm>> -> memref<80x128xf32, #tpu.memory_space<hbm>>
    %dma_start3A_131 = arith.constant 0 : i32
    %dma_start3A_132 = tpu.memref_slice %arg4[%add3A_128, %dma_start3A_131] : memref<204800x128xf32, #tpu.memory_space<hbm>> -> memref<80x128xf32, #tpu.memory_space<hbm>>
    tpu.enqueue_dma source(%arg11 : memref<80x128xf32, #tpu.memory_space<vmem>>) target(%dma_start3A_132 : memref<80x128xf32, #tpu.memory_space<hbm>>) target_semaphore(%arg27 : memref<!tpu.dma_semaphore, #tpu.memory_space<semaphore_mem>>)
    %dma_wait3A_133 = arith.constant 0 : i32
    %dma_wait3A_134 = tpu.memref_slice %arg4[%mul3A_2, %dma_wait3A_133] : memref<204800x128xf32, #tpu.memory_space<hbm>> -> memref<80x128xf32, #tpu.memory_space<hbm>>
    %dma_wait3A_135 = arith.constant 0 : i32
    %dma_wait3A_136 = tpu.memref_slice %arg4[%mul3A_2, %dma_wait3A_135] : memref<204800x128xf32, #tpu.memory_space<hbm>> -> memref<80x128xf32, #tpu.memory_space<hbm>>
    tpu.wait_dma2 semaphore(%arg24 : memref<!tpu.dma_semaphore, #tpu.memory_space<semaphore_mem>>) src(%arg8 : memref<80x128xf32, #tpu.memory_space<vmem>>) dst(%dma_wait3A_136 : memref<80x128xf32, #tpu.memory_space<hbm>>)
    %dma_wait3A_137 = arith.constant 0 : i32
    %dma_wait3A_138 = arith.constant 0 : i32
    %dma_wait3A_139 = tpu.memref_slice %arg3[%dma_wait3A_137, %dma_wait3A_138] : memref<5000x128xf32, #tpu.memory_space<hbm>> -> memref<80x128xf32, #tpu.memory_space<hbm>>
    %dma_wait3A_140 = arith.constant 0 : i32
    %dma_wait3A_141 = arith.constant 0 : i32
    %dma_wait3A_142 = tpu.memref_slice %arg3[%dma_wait3A_140, %dma_wait3A_141] : memref<5000x128xf32, #tpu.memory_space<hbm>> -> memref<80x128xf32, #tpu.memory_space<hbm>>
    tpu.wait_dma2 semaphore(%arg20 : memref<!tpu.dma_semaphore, #tpu.memory_space<semaphore_mem>>) src(%dma_wait3A_142 : memref<80x128xf32, #tpu.memory_space<hbm>>) dst(%arg12 : memref<80x128xf32, #tpu.memory_space<vmem>>)
    %add3A_143 = arith.constant 6240 : i32
    %add3A_144 = arith.addi %mul3A_2, %add3A_143 : i32
    %dma_start3A_145 = arith.constant 0 : i32
    %dma_start3A_146 = tpu.memref_slice %arg4[%add3A_144, %dma_start3A_145] : memref<204800x128xf32, #tpu.memory_space<hbm>> -> memref<80x128xf32, #tpu.memory_space<hbm>>
    %dma_start3A_147 = arith.constant 0 : i32
    %dma_start3A_148 = tpu.memref_slice %arg4[%add3A_144, %dma_start3A_147] : memref<204800x128xf32, #tpu.memory_space<hbm>> -> memref<80x128xf32, #tpu.memory_space<hbm>>
    tpu.enqueue_dma source(%arg12 : memref<80x128xf32, #tpu.memory_space<vmem>>) target(%dma_start3A_148 : memref<80x128xf32, #tpu.memory_space<hbm>>) target_semaphore(%arg28 : memref<!tpu.dma_semaphore, #tpu.memory_space<semaphore_mem>>)
    %dma_wait3A_149 = arith.constant 0 : i32
    %dma_wait3A_150 = tpu.memref_slice %arg4[%mul3A_2, %dma_wait3A_149] : memref<204800x128xf32, #tpu.memory_space<hbm>> -> memref<80x128xf32, #tpu.memory_space<hbm>>
    %dma_wait3A_151 = arith.constant 0 : i32
    %dma_wait3A_152 = tpu.memref_slice %arg4[%mul3A_2, %dma_wait3A_151] : memref<204800x128xf32, #tpu.memory_space<hbm>> -> memref<80x128xf32, #tpu.memory_space<hbm>>
    tpu.wait_dma2 semaphore(%arg25 : memref<!tpu.dma_semaphore, #tpu.memory_space<semaphore_mem>>) src(%arg9 : memref<80x128xf32, #tpu.memory_space<vmem>>) dst(%dma_wait3A_152 : memref<80x128xf32, #tpu.memory_space<hbm>>)
    %dma_wait3A_153 = arith.constant 0 : i32
    %dma_wait3A_154 = arith.constant 0 : i32
    %dma_wait3A_155 = tpu.memref_slice %arg3[%dma_wait3A_153, %dma_wait3A_154] : memref<5000x128xf32, #tpu.memory_space<hbm>> -> memref<80x128xf32, #tpu.memory_space<hbm>>
    %dma_wait3A_156 = arith.constant 0 : i32
    %dma_wait3A_157 = arith.constant 0 : i32
    %dma_wait3A_158 = tpu.memref_slice %arg3[%dma_wait3A_156, %dma_wait3A_157] : memref<5000x128xf32, #tpu.memory_space<hbm>> -> memref<80x128xf32, #tpu.memory_space<hbm>>
    tpu.wait_dma2 semaphore(%arg21 : memref<!tpu.dma_semaphore, #tpu.memory_space<semaphore_mem>>) src(%dma_wait3A_158 : memref<80x128xf32, #tpu.memory_space<hbm>>) dst(%arg13 : memref<80x128xf32, #tpu.memory_space<vmem>>)
    %add3A_159 = arith.constant 6320 : i32
    %add3A_160 = arith.addi %mul3A_2, %add3A_159 : i32
    %dma_start3A_161 = arith.constant 0 : i32
    %dma_start3A_162 = tpu.memref_slice %arg4[%add3A_160, %dma_start3A_161] : memref<204800x128xf32, #tpu.memory_space<hbm>> -> memref<80x128xf32, #tpu.memory_space<hbm>>
    %dma_start3A_163 = arith.constant 0 : i32
    %dma_start3A_164 = tpu.memref_slice %arg4[%add3A_160, %dma_start3A_163] : memref<204800x128xf32, #tpu.memory_space<hbm>> -> memref<80x128xf32, #tpu.memory_space<hbm>>
    tpu.enqueue_dma source(%arg13 : memref<80x128xf32, #tpu.memory_space<vmem>>) target(%dma_start3A_164 : memref<80x128xf32, #tpu.memory_space<hbm>>) target_semaphore(%arg29 : memref<!tpu.dma_semaphore, #tpu.memory_space<semaphore_mem>>)
    %dma_wait3A_165 = arith.constant 0 : i32
    %dma_wait3A_166 = tpu.memref_slice %arg4[%mul3A_2, %dma_wait3A_165] : memref<204800x128xf32, #tpu.memory_space<hbm>> -> memref<80x128xf32, #tpu.memory_space<hbm>>
    %dma_wait3A_167 = arith.constant 0 : i32
    %dma_wait3A_168 = tpu.memref_slice %arg4[%mul3A_2, %dma_wait3A_167] : memref<204800x128xf32, #tpu.memory_space<hbm>> -> memref<80x128xf32, #tpu.memory_space<hbm>>
    tpu.wait_dma2 semaphore(%arg26 : memref<!tpu.dma_semaphore, #tpu.memory_space<semaphore_mem>>) src(%arg10 : memref<80x128xf32, #tpu.memory_space<vmem>>) dst(%dma_wait3A_168 : memref<80x128xf32, #tpu.memory_space<hbm>>)
    %dma_wait3A_169 = arith.constant 0 : i32
    %dma_wait3A_170 = tpu.memref_slice %arg4[%mul3A_2, %dma_wait3A_169] : memref<204800x128xf32, #tpu.memory_space<hbm>> -> memref<80x128xf32, #tpu.memory_space<hbm>>
    %dma_wait3A_171 = arith.constant 0 : i32
    %dma_wait3A_172 = tpu.memref_slice %arg4[%mul3A_2, %dma_wait3A_171] : memref<204800x128xf32, #tpu.memory_space<hbm>> -> memref<80x128xf32, #tpu.memory_space<hbm>>
    tpu.wait_dma2 semaphore(%arg27 : memref<!tpu.dma_semaphore, #tpu.memory_space<semaphore_mem>>) src(%arg11 : memref<80x128xf32, #tpu.memory_space<vmem>>) dst(%dma_wait3A_172 : memref<80x128xf32, #tpu.memory_space<hbm>>)
    %dma_wait3A_173 = arith.constant 0 : i32
    %dma_wait3A_174 = tpu.memref_slice %arg4[%mul3A_2, %dma_wait3A_173] : memref<204800x128xf32, #tpu.memory_space<hbm>> -> memref<80x128xf32, #tpu.memory_space<hbm>>
    %dma_wait3A_175 = arith.constant 0 : i32
    %dma_wait3A_176 = tpu.memref_slice %arg4[%mul3A_2, %dma_wait3A_175] : memref<204800x128xf32, #tpu.memory_space<hbm>> -> memref<80x128xf32, #tpu.memory_space<hbm>>
    tpu.wait_dma2 semaphore(%arg28 : memref<!tpu.dma_semaphore, #tpu.memory_space<semaphore_mem>>) src(%arg12 : memref<80x128xf32, #tpu.memory_space<vmem>>) dst(%dma_wait3A_176 : memref<80x128xf32, #tpu.memory_space<hbm>>)
    %dma_wait3A_177 = arith.constant 0 : i32
    %dma_wait3A_178 = tpu.memref_slice %arg4[%mul3A_2, %dma_wait3A_177] : memref<204800x128xf32, #tpu.memory_space<hbm>> -> memref<80x128xf32, #tpu.memory_space<hbm>>
    %dma_wait3A_179 = arith.constant 0 : i32
    %dma_wait3A_180 = tpu.memref_slice %arg4[%mul3A_2, %dma_wait3A_179] : memref<204800x128xf32, #tpu.memory_space<hbm>> -> memref<80x128xf32, #tpu.memory_space<hbm>>
    tpu.wait_dma2 semaphore(%arg29 : memref<!tpu.dma_semaphore, #tpu.memory_space<semaphore_mem>>) src(%arg13 : memref<80x128xf32, #tpu.memory_space<vmem>>) dst(%dma_wait3A_180 : memref<80x128xf32, #tpu.memory_space<hbm>>)
    return
  }
}

</mosaic_0001>

<sc_bundles>
// kernel: kernel.3.cloned.1.call-start
scs
__scs_entry_jumppad:
0x0: {  	(pc) =	sbr.rel $0x88, $3  }
0x1: {  	(tag) =	ssettag $0x0;
	lr =	simm.s32 $0x1  }
0x2: {  	[smem:$0x3F9F] =	sst lr;
	_ =	strace $0xD0000000  }
0x3: {  	_ = 	snop  }
0x4: {  	_ = 	snop  }
0x5: {  	_ = 	snop  }
0x6: {  	_ = 	snop  }
0x7: {  	_ = 	snop  }
__scs_overlays_trampoline_lowered:
0x8: {  	[smem:$0x3FAE] =	sst s0  }
0x9: {  	[smem:$0x3FAF] =	sst s1  }
0xa: {  	[smem:$0x3FB0] =	sst s2  }
0xb: {  	[smem:$0x3FB1] =	sst s3  }
0xc: {  	[smem:$0x3FB2] =	sst s4  }
0xd: {  	[smem:$0x3FB3] =	sst s5  }
0xe: {  	[smem:$0x3FB4] =	sst s6  }
0xf: {  	[smem:$0x3FB5] =	sst s7  }
0x10: {  	[smem:$0x3FB6] =	sst s8  }
0x11: {  	[smem:$0x3FB7] =	sst s9;
	s0 =	simm.s32 @!p0 $0x0  }
0x12: {  	s1 =	sld [smem:$0x3F9D];
	s0 =	simm.s32 @p0 $0x1  }
0x13: {  	[smem:$0x3FB8] =	sst s0;
	s0 =	simm.s32 @!p1 $0x0  }
0x14: {  	s2 =	sld [smem:$0x3F9C];
	s0 =	simm.s32 @p1 $0x1  }
0x15: {  	[smem:$0x3FB9] =	sst s0;
	s0 =	simm.s32 @!p2 $0x0  }
0x16: {  	s3 =	sld [smem:$0x3FDB];
	s0 =	simm.s32 @p2 $0x1  }
0x17: {  	s4 =	simm.s32 $0x1BF5;
	[smem:$0x3FBB] =	sst s0  }
0x18: {  	s0 =	sld [smem:$0x3F9E];
	_ =	swait.ge [sflag:s4], $0x0  }
0x19: {  	s7 =	sld [smem:$0x3F9F]  }
0x1a: {  	s8 =	sadd.s32 $0xFFFFE003, lr  }
0x1b: {  	s9 =	sadd.s32 $0xFFFFFEF7, lr;
	s5 =	simm.s32 $0xFFFFFFFF;
	p2 =	slt.u32 s8, $0xFFFFF086  }
0x1c: {  	p1 =	slt.u32 s9, $0xF7A;
	s5 =	simm.s32 @!p2 $0x0  }
0x1d: {  	s5 =	simm.s32 @p1 $0x1;
	p0 =	seq.s32 s7, s2  }
0x1e: {  	s7 =	smul.u32 @!p0 $0xF7A, s2;
	p2 =	seq.s32 @!p0 s5, $0x0  }
0x1f: {  	s9 =	smul.u32 $0xF7A, s1;
	s8 =	simm.s32 @!p0 $0x1BF5;
	p2 =	por !p2, p0  }
0x20: {  	[sflag:s8] =	ssyncset.s32 @!p0 $0xFFFFF086;
	s6 =	sadd.s32 @!p0 s3, s7;
	s7 =	simm.s32 @!p0 $0x108  }
0x21: {  	s3 =	sadd.s32 s3, s9;
	s6 =	sadd.s32 @!p0 $0x88, s6;
	s7 =	simm.s32 @p2 $0x1082  }
0x22: {  	[simem:s7], [sflag:s8] =	dma.local @!p0 [hbm:s6], $0xF7A  }
0x23: {  	s9 =	sor.u32 $0xD0000000, s2;
	s6 =	simm.s32 $0x108;
	_ =	swait.ge @!p0 [sflag:s8], $0x0  }
0x24: {  	s3 =	sadd.s32 $0x88, s3;
	s6 =	simm.s32 @!p1 $0x1082;
	[sflag:s4] =	ssyncset.s32 $0xFFFFF086  }
0x25: {  	[simem:s6], [sflag:s4] =	dma.local [hbm:s3], $0xF7A  }
0x26: {  	[smem:$0x3F9F] =	sst s1;
	(tag) =	ssettag s2;
	_ =	strace s9  }
0x27: {  	s1 =	sld [smem:$0x3FAF]  }
0x28: {  	s2 =	sld [smem:$0x3FB0]  }
0x29: {  	s4 =	sld [smem:$0x3FB2]  }
0x2a: {  	p0 =	seq.s32 s5, $0x0;
	s5 =	sld [smem:$0x3FB3]  }
0x2b: {  	s6 =	sld [smem:$0x3FB4]  }
0x2c: {  	s7 =	sld [smem:$0x3FB5]  }
0x2d: {  	s3 =	simm.s32 $0x108;
	s8 =	sld [smem:$0x3FB6]  }
0x2e: {  	s3 =	simm.s32 @!p0 $0x1082;
	s9 =	sld [smem:$0x3FB7]  }
0x2f: {  	lr =	sadd.s32 s0, s3;
	s0 =	sld [smem:$0x3FAE]  }
0x30: {  	s3 =	sld [smem:$0x3FB1]  }
0x31: {  	[smem:$0x3FBA] =	sst s10  }
0x32: {  	s10 =	sld [smem:$0x3FB8];
	_ =	sdelay $0x3  }
0x33: {  	p0 =	seq.s32 s10, $0x1;
	s10 =	sld [smem:$0x3FBA];
	_ =	sdelay $0x3  }
0x34: {  	[smem:$0x3FBA] =	sst s10  }
0x35: {  	s10 =	sld [smem:$0x3FB9];
	_ =	sdelay $0x3  }
0x36: {  	p1 =	seq.s32 s10, $0x1;
	s10 =	sld [smem:$0x3FBA];
	_ =	sdelay $0x3  }
0x37: {  	[smem:$0x3FBA] =	sst s10  }
0x38: {  	s10 =	sld [smem:$0x3FBB]  }
0x39: {  	_ = 	snop;
	(pc) =	sbr.ind lr, $3  }
0x3a: {  	_ = 	snop  }
0x3b: {  	_ = 	snop  }
0x3c: {  	p2 =	seq.s32 s10, $0x1;
	s10 =	sld [smem:$0x3FBA]  }
0x3d: {  	_ =	shalt  }
0x3e: {  	_ =	shalt  }
0x3f: {  	_ =	shalt  }
0x40: {  	_ =	shalt  }
0x41: {  	_ =	shalt  }
0x42: {  	_ =	shalt  }
0x43: {  	_ =	shalt  }
0x44: {  	_ =	shalt  }
0x45: {  	_ =	shalt  }
0x46: {  	_ =	shalt  }
0x47: {  	_ =	shalt  }
0x48: {  	_ =	shalt  }
0x49: {  	_ =	shalt  }
0x4a: {  	_ =	shalt  }
0x4b: {  	_ =	shalt  }
0x4c: {  	_ =	shalt  }
0x4d: {  	_ =	shalt  }
0x4e: {  	_ =	shalt  }
0x4f: {  	_ =	shalt  }
0x50: {  	_ =	shalt  }
0x51: {  	_ =	shalt  }
0x52: {  	_ =	shalt  }
0x53: {  	_ =	shalt  }
0x54: {  	_ =	shalt  }
0x55: {  	_ =	shalt  }
0x56: {  	_ =	shalt  }
0x57: {  	_ =	shalt  }
0x58: {  	_ =	shalt  }
0x59: {  	_ =	shalt  }
0x5a: {  	_ =	shalt  }
0x5b: {  	_ =	shalt  }
0x5c: {  	_ =	shalt  }
0x5d: {  	_ =	shalt  }
0x5e: {  	_ =	shalt  }
0x5f: {  	_ =	shalt  }
0x60: {  	_ =	shalt  }
0x61: {  	_ =	shalt  }
0x62: {  	_ =	shalt  }
0x63: {  	_ =	shalt  }
0x64: {  	_ =	shalt  }
0x65: {  	_ =	shalt  }
0x66: {  	_ =	shalt  }
0x67: {  	_ =	shalt  }
0x68: {  	_ =	shalt  }
0x69: {  	_ =	shalt  }
0x6a: {  	_ =	shalt  }
0x6b: {  	_ =	shalt  }
0x6c: {  	_ =	shalt  }
0x6d: {  	_ =	shalt  }
0x6e: {  	_ =	shalt  }
0x6f: {  	_ =	shalt  }
0x70: {  	_ =	shalt  }
0x71: {  	_ =	shalt  }
0x72: {  	_ =	shalt  }
0x73: {  	_ =	shalt  }
0x74: {  	_ =	shalt  }
0x75: {  	_ =	shalt  }
0x76: {  	_ =	shalt  }
0x77: {  	_ =	shalt  }
0x78: {  	_ =	shalt  }
0x79: {  	_ =	shalt  }
0x7a: {  	_ =	shalt  }
0x7b: {  	_ =	shalt  }
0x7c: {  	_ =	shalt  }
0x7d: {  	_ =	shalt  }
0x7e: {  	_ =	shalt  }
0x7f: {  	_ =	shalt  }
0x80: {  	_ =	shalt  }
0x81: {  	_ =	shalt  }
0x82: {  	_ =	shalt  }
0x83: {  	_ =	shalt  }
0x84: {  	_ =	shalt  }
0x85: {  	_ =	shalt  }
0x86: {  	_ =	shalt  }
0x87: {  	_ =	shalt  }
.Lfunc_end0:
.L_simem_size_0:
called_computation_lowered:
.L_overlay_start_0:
0x88: {  	s2 =	sld [smem:$0x3FD9]  }
0x89: {  	s3 =	sld [smem:$0x3FFE];
	_ =	sdelay $0x1  }
0x8a: {  	s1 =	srdreg.scid  }
0x8b: {  	s0 =	sand.u32 $0x1, s1  }
0x8c: {  	s17 =	sshll.u32 s0, $0xA;
	s2 =	sadd.s32 s3, s2  }
0x8d: {  	s2 =	sadd.s32 s2, s17  }
0x8e: {  	[smem:$0x3FC6] =	sst s2  }
0x8f: {  	_ = 	snop  }
0x90: {  	s2 =	sld [smem:$0x3FC8]  }
0x91: {  	s18 =	sld [smem:$0x3FD0];
	(tm) =	ssettm $0x1  }
0x92: {  	s4 =	sld [smem:$0x3FFB];
	_ =	sdelay $0x3  }
0x93: {  	_ =	strace s4  }
0x94: {  	s4 =	sld [smem:$0x3FFC];
	_ =	sdelay $0x3  }
0x95: {  	_ =	strace s4  }
0x96: {  	s4 =	sld [smem:$0x3FFD];
	_ =	sdelay $0x3  }
0x97: {  	_ =	strace s4  }
0x98: {  	_ =	strace $0x8FFFFFFF  }
0x99: {  	s19 =	sld [smem:$0x3FDB];
	_ =	sdelay $0x1  }
0x9a: {  	s5 =	simm.s32 $_scs_section_size  }
0x9b: {  	s6 =	simm.s32 $_size__tile_overlayer_lowered;
	s7 =	simm.s32 $_tile_overlayer_lowered  }
0x9c: {  	s22 =	simm.s32 $0x1BFF;
	s21 =	sshll.u32 s7, $0x1;
	s4 =	sadd.s32 s5, s19  }
0x9d: {  	s8 =	simm.s32 $0x0;
	s20 =	sshll.u32 s6, $0x1;
	s6 =	sadd.s32 s21, s4  }
0x9e: {  	[timem:s8], [sflag:s22] =	dma.local [hbm:s6], s20  }
0x9f: {  	_ =	swait.ge [sflag:s22], s20  }
0xa0: {  	s5 =	ssub.s32 $0x0, s20;
	[sflag:s22] =	ssyncset.done $0x0  }
0xa1: {  	[sflag:s22] =	ssyncadd.s32 s5;
	_ =	sdelay $0x1  }
0xa2: {  	s23 =	simm.s32 $0x1B8B  }
0xa3: {  	_ =	swait.ge [sflag:s23], $0x1  }
0xa4: {  	[sflag:s23] =	ssyncset.done $0x0  }
0xa5: {  	s25 =	simm.s32 $0x1B8E;
	s24 =	sld [smem:$0x3FFE];
	[sflag:s23] =	ssyncadd.s32 $0xFFFFFFFF  }
0xa6: {  	s26 =	simm.s32 $execute0_lowered;
	[smem:$0x3FD2] =	sst s25  }
0xa7: {  	s6 =	sshll.u32 s26, $0x1;
	_ =	strace $0x80000046;
	[dreg:$0x1] =	wrdreg $0xFFFFFFFF  }
0xa8: {  	s28 =	simm.s32 $_size_execute0_lowered;
	s4 =	sadd.s32 s4, s6;
	[dreg:$0x0] =	wrdreg $0x0  }
0xa9: {  	s6 =	sshll.u32 s28, $0x1;
	[dreg:$0x2] =	wrdreg s4  }
0xaa: {  	[dreg:$0x3] =	wrdreg s6  }
0xab: {  	[dreg:$0x4] =	wrdreg $0xC0  }
0xac: {  	_ =	task [dreg:s8], $0x5FFFF  }
0xad: {  	[dreg:$0x1] =	wrdreg $0xFFFFFFFF  }
0xae: {  	[dreg:$0x0] =	wrdreg $0x60  }
0xaf: {  	[dreg:$0x2] =	wrdreg s24  }
0xb0: {  	[dreg:$0x3] =	wrdreg s2  }
0xb1: {  	[dreg:$0x4] =	wrdreg s18  }
0xb2: {  	[dreg:$0x5] =	wrdreg $0x159000  }
0xb3: {  	[dreg:$0x6] =	wrdreg $0x9  }
0xb4: {  	_ =	task.clear_ibuf [dreg:s8], $0x7FFFF;
	_ =	strace $0x90000046  }
0xb5: {  	s29 =	simm.s32 $0x9;
	_ =	strace $0x80000048  }
0xb6: {  	_ =	swait.ge [sflag:s29], $0x1  }
0xb7: {  	[sflag:s29] =	ssyncadd.s32 $0xFFFFFFFF  }
0xb8: {  	_ =	strace $0x90000048  }
0xb9: {  	_ =	sfence  }
0xba: {  	s30 =	sld [smem:$0x0];
	_ =	sdelay $0x2  }
0xbb: {  	s31 =	sshll.u32 s1, $0xD;
	s1 =	sshrl.u32 s1, $0x2  }
0xbc: {  	s3 =	sand.u32 $0x4000, s31;
	s1 =	sadd.s32 s1, s30  }
0xbd: {  	s0 =	sor.u32 s3, s0;
	s1 =	sshll.u32 s1, $0x11  }
0xbe: {  	s0 =	sor.u32 s1, s0  }
0xbf: {  	s0 =	sadd.s32 $0x8F2B, s0  }
0xc0: {  	[sflag:s0] =	ssyncadd.remote.s32 $0x1  }
0xc1: {  	_ =	sfence.sel $0xFFFF  }
0xc2: {  	[dreg:$0x0] =	wrdreg $0xFFFFFFFF;
	(pc) =	sbr.abs _section_cstart, $3  }
0xc3: {  	[dreg:$0x1] =	wrdreg $0xFFFFFFFF  }
0xc4: {  	_ =	task.clear_ibuf [dreg:s8], $0x2FFFF;
	_ =	strace $0x9FFFFFFF  }
0xc5: {  	(tm) =	ssettm $0x7FFFFFFF  }
tec
execute0_lowered:
.L_overlay_start_1:
0x0: {  	(tag) =	ssettag $0x1  }
0x1: {  	s0 =	rddreg [dreg:$0x0]  }
0x2: {  	s10 =	rddreg [dreg:$0x1]  }
0x3: {  	s1 =	rddreg [dreg:$0x2];
	s2 =	srdreg.scid  }
0x4: {  	s9 =	stileid.u32;
	s3 =	rddreg [dreg:$0x3];
	s4 =	simm.s32 $0x0  }
0x5: {  	s28 =	simm.s32 $0xB900;
	s29 =	simm.s32 $0x1;
	s31 =	simm.s32 $0xE100  }
0x6: {  	s30 =	simm.s32 $0x13100;
	s11 =	simm.s32 $0xC;
	s12 =	simm.s32 $0x8  }
0x7: {  	s13 =	simm.s32 $0xD;
	s14 =	simm.s32 $0xE;
	s15 =	simm.s32 $0xF  }
0x8: {  	s16 =	simm.s32 $0x0;
	s2 =	sand.u32 $0x1, s2;
	s5 =	sshll.u32 s9, $0x1  }
0x9: {  	[smem:$0x7FF] =	sst s4;
	s19 =	sadd.s32 $0x9C80, s10;
	s21 =	smul.u32 $0x32000, s9  }
0xa: {  	s5 =	sor.u32 s2, s5;
	s7 =	ssub.s32 $0x2, s2;
	s2 =	smul.u32 $0x19000, s2  }
0xb: {  	p0 =	seq.s32 s9, $0x1;
	s10 =	simm.s32 $0x7;
	s6 =	smul.u32 $0x1900, s5  }
0xc: {  	_ =	strace $0x80000047;
	[dreg:$0x6] =	wrdreg s19;
	s8 =	smul.u32 $0x19000, s5  }
0xd: {  	s19 =	simm.s32 $0x1900;
	p1 =	sne.s32 @!p0 s9, $0x0;
	s5 =	smul.u32 $0xC8000, s5  }
0xe: {  	s9 =	simm.s32 $0xB;
	s18 =	sshrl.u32 s7, $0x1;
	p1 =	por p1, p0  }
0xf: {  	s6 =	sshrl.u32 s6, $0x3;
	s8 =	sadd.s32 s1, s8;
	s5 =	sshrl.u32 s5, $0x3  }
0x10: {  	s0 =	sadd.s32 s6, s0;
	s6 =	ssub.s32 s7, s18;
	s20 =	sadd.s32 $0x500, s8  }
0x11: {  	s5 =	sadd.s32 s1, s5;
	[dreg:$0x7] =	wrdreg s8;
	s8 =	sadd.s32 $0xA00, s8  }
0x12: {  	s1 =	sadd.s32 s21, s1;
	s18 =	simm.s32 $0x50;
	[dreg:$0x8] =	wrdreg s20  }
0x13: {  	s21 =	simm.s32 $0x10900;
	s0 =	sadd.s32 $0x400, s0;
	[dreg:$0x9] =	wrdreg s8  }
0x14: {  	s7 =	simm.s32 $0x10;
	s22 =	sadd.s32 $0x17700, s5;
	[dreg:$0x5] =	wrdreg s0  }
0x15: {  	s23 =	sadd.s32 $0x17C00, s5;
	s24 =	sadd.s32 $0x18100, s5;
	[dreg:$0xa] =	wrdreg s22  }
0x16: {  	s25 =	sadd.s32 $0x18600, s5;
	s5 =	sadd.s32 $0x18B00, s5;
	[dreg:$0xb] =	wrdreg s23  }
0x17: {  	s1 =	sadd.s32 s2, s1;
	s26 =	smax.u32 s6, $0x1;
	[dreg:$0xc] =	wrdreg s24  }
0x18: {  	s20 =	simm.s32 $0x4100;
	s2 =	simm.s32 $0x2;
	[dreg:$0xd] =	wrdreg s25  }
0x19: {  	s6 =	simm.s32 $0xA;
	s8 =	simm.s32 $0x6;
	[dreg:$0xe] =	wrdreg s5  }
0x1a: {  	s0 =	sadd.s32 $0x4E400, s3;
	[dreg:$0xf] =	wrdreg s26;
	s1 =	sadd.s32 $0x1900, s1  }
0x1b: {  	s22 =	simm.s32 $0x6900;
	s24 =	simm.s32 $0x9100;
	s23 =	simm.s32 $0x3  }
0x1c: {  	s26 =	simm.s32 $0x9;
	[dreg:$0x10] =	wrdreg s1;
	s0 =	sshrl.u32 @p0 s0, $0x3  }
0x1d: {  	s5 =	simm.s32 $0x5;
	[dreg:$0x11] =	wrdreg s0;
	s0 =	simm.s32 $0x4  }
.LBB2_1:
0x1e: {  	[dreg:$0x12] =	wrdreg s16  }
0x1f: {  	s1 =	rddreg [dreg:$0x5];
	s17 =	simm.s32 $0x11  }
0x20: {  	[tilespmem:s4], [sflag:$0x11] =	stream.linear.gather [hbm4b:s1+s4], $0x1900, $0x38;
	[tilespmem:$0x1F540] =	vst v63  }
0x21: {  	_ =	swait.ge [sflag:s17], $0x1900  }
0x22: {  	[sflag:s17] =	ssyncset.done $0x0  }
0x23: {  	[sflag:s17] =	ssyncadd.s32 $0xFFFFE700  }
0x24: {  	s16 =	rddreg [dreg:$0x1]  }
0x25: {  	[tilespmem:s19], [sflag:$0x1] =	stream.indirect.gather [hbm4b:s16+s18], $0x80, s4, s18, $0xb8;
	[tilespmem:$0x1F540] =	vst v63  }
0x26: {  	_ = 	snop  }
0x27: {  	[tilespmem:s20], [sflag:$0x2] =	stream.indirect.gather [hbm4b:s16+s18], $0x80, s18, s18, $0xb8;
	[tilespmem:$0x1F540] =	vst v63  }
0x28: {  	s25 =	simm.s32 $0xA0  }
0x29: {  	[tilespmem:s22], [sflag:$0x3] =	stream.indirect.gather [hbm4b:s16+s18], $0x80, s25, s18, $0xb8;
	[tilespmem:$0x1F540] =	vst v63  }
0x2a: {  	s17 =	simm.s32 $0xF0  }
0x2b: {  	[tilespmem:s24], [sflag:$0x4] =	stream.indirect.gather [hbm4b:s16+s18], $0x80, s17, s18, $0xb8;
	[tilespmem:$0x1F540] =	vst v63  }
0x2c: {  	s25 =	simm.s32 $0x140;
	s17 =	rddreg [dreg:$0x6]  }
0x2d: {  	[tilespmem:s28], [sflag:$0x5] =	stream.indirect.gather [hbm4b:s16+s18], $0x80, s25, s18, $0xb8;
	[tilespmem:$0x1F540] =	vst v63  }
0x2e: {  	s1 =	simm.s32 @p0 $0x1C51;
	s25 =	rddreg [dreg:$0x11]  }
0x2f: {  	[spmem:s25], [sflag:s1] =	dma.local @p0 [hbm:s17], $0x9C00  }
0x30: {  	s1 =	simm.s32 @p0 $0x11  }
0x31: {  	_ =	swait.ge @p0 [sflag:s1], $0x9C00  }
0x32: {  	[sflag:s1] =	ssyncset.done @p0 $0x0  }
0x33: {  	s17 =	simm.s32 @!p1 $0x1C11;
	[sflag:s1] =	ssyncadd.s32 @p0 $0xFFFF6400;
	s1 =	sshrl.u32 @!p1 s3, $0x3  }
0x34: {  	[spmem:s1], [sflag:s17] =	dma.local @!p1 [hbm:s16], $0x9C80  }
0x35: {  	s1 =	simm.s32 @!p1 $0x11  }
0x36: {  	_ =	swait.ge @!p1 [sflag:s1], $0x9C80  }
0x37: {  	[sflag:s1] =	ssyncset.done @!p1 $0x0  }
0x38: {  	[sflag:s1] =	ssyncadd.s32 @!p1 $0xFFFF6380  }
0x39: {  	[bflag:$0x0] =	sbarrier.arrive $0xFFFF  }
0x3a: {  	_ =	swait.ge [sflag:s29], $0x2800  }
0x3b: {  	[sflag:s29] =	ssyncset.done $0x0  }
0x3c: {  	s17 =	rddreg [dreg:$0x7];
	[sflag:s29] =	ssyncadd.s32 $0xFFFFD800  }
0x3d: {  	[hbm4b:s17+s4] =	stream.linear.scatter [tilespmem:s19], [sflag:$0x9], $0x2800, $0x38;
	[tilespmem:$0x1F540] =	vst v63  }
0x3e: {  	s25 =	simm.s32 $0x190  }
0x3f: {  	[tilespmem:s31], [sflag:$0x6] =	stream.indirect.gather [spmem:s3], $0x80, s25, s18, $0xb8;
	[tilespmem:$0x1F540] =	vst v63  }
0x40: {  	_ =	swait.ge [sflag:s2], $0x2800  }
0x41: {  	[sflag:s2] =	ssyncset.done $0x0  }
0x42: {  	s16 =	rddreg [dreg:$0x8];
	[sflag:s2] =	ssyncadd.s32 $0xFFFFD800  }
0x43: {  	[hbm4b:s16+s4] =	stream.linear.scatter [tilespmem:s20], [sflag:$0xA], $0x2800, $0x38;
	[tilespmem:$0x1F540] =	vst v63  }
0x44: {  	s17 =	simm.s32 $0x1E0  }
0x45: {  	[tilespmem:s21], [sflag:$0x7] =	stream.indirect.gather [spmem:s3], $0x80, s17, s18, $0xb8;
	[tilespmem:$0x1F540] =	vst v63  }
0x46: {  	_ =	swait.ge [sflag:s23], $0x2800  }
0x47: {  	[sflag:s23] =	ssyncset.done $0x0  }
0x48: {  	s25 =	rddreg [dreg:$0x9];
	[sflag:s23] =	ssyncadd.s32 $0xFFFFD800  }
0x49: {  	[hbm4b:s25+s4] =	stream.linear.scatter [tilespmem:s22], [sflag:$0xB], $0x2800, $0x38;
	[tilespmem:$0x1F540] =	vst v63  }
0x4a: {  	s16 =	simm.s32 $0x230  }
0x4b: {  	[tilespmem:s30], [sflag:$0x8] =	stream.indirect.gather [spmem:s3], $0x80, s16, s18, $0xb8;
	[tilespmem:$0x1F540] =	vst v63  }
0x4c: {  	_ =	swait.ge [sflag:s0], $0x2800  }
0x4d: {  	[sflag:s0] =	ssyncset.done $0x0;
	s16 =	rddreg [dreg:$0x10]  }
0x4e: {  	[sflag:s0] =	ssyncadd.s32 $0xFFFFD800;
	s17 =	sadd.s32 $0xFFFFF600, s16  }
0x4f: {  	[hbm4b:s17+s4] =	stream.linear.scatter [tilespmem:s24], [sflag:$0xC], $0x2800, $0x38;
	[tilespmem:$0x1F540] =	vst v63  }
0x50: {  	_ =	swait.ge [sflag:s26], $0x2800  }
0x51: {  	[sflag:s26] =	ssyncset.done $0x0  }
0x52: {  	s25 =	simm.s32 $0x280;
	[sflag:s26] =	ssyncadd.s32 $0xFFFFD800  }
0x53: {  	[tilespmem:s19], [sflag:$0x1] =	stream.indirect.gather [spmem:s3], $0x80, s25, s18, $0xb8;
	[tilespmem:$0x1F540] =	vst v63  }
0x54: {  	_ =	swait.ge [sflag:s5], $0x2800  }
0x55: {  	[sflag:s5] =	ssyncset.done $0x0  }
0x56: {  	s17 =	sadd.s32 $0xFFFFFB00, s16;
	[sflag:s5] =	ssyncadd.s32 $0xFFFFD800  }
0x57: {  	[hbm4b:s17+s4] =	stream.linear.scatter [tilespmem:s28], [sflag:$0xD], $0x2800, $0x38;
	[tilespmem:$0x1F540] =	vst v63  }
0x58: {  	_ =	swait.ge [sflag:s6], $0x2800  }
0x59: {  	[sflag:s6] =	ssyncset.done $0x0  }
0x5a: {  	s25 =	simm.s32 $0x2D0;
	[sflag:s6] =	ssyncadd.s32 $0xFFFFD800  }
0x5b: {  	[tilespmem:s20], [sflag:$0x2] =	stream.indirect.gather [spmem:s3], $0x80, s25, s18, $0xb8;
	[tilespmem:$0x1F540] =	vst v63  }
0x5c: {  	_ =	swait.ge [sflag:s8], $0x2800  }
0x5d: {  	[sflag:s8] =	ssyncset.done $0x0  }
0x5e: {  	[sflag:s8] =	ssyncadd.s32 $0xFFFFD800  }
0x5f: {  	[hbm4b:s16+s4] =	stream.linear.scatter [tilespmem:s31], [sflag:$0xE], $0x2800, $0x38;
	[tilespmem:$0x1F540] =	vst v63  }
0x60: {  	_ =	swait.ge [sflag:s9], $0x2800  }
0x61: {  	[sflag:s9] =	ssyncset.done $0x0  }
0x62: {  	s17 =	simm.s32 $0x320;
	[sflag:s9] =	ssyncadd.s32 $0xFFFFD800  }
0x63: {  	[tilespmem:s22], [sflag:$0x3] =	stream.indirect.gather [spmem:s3], $0x80, s17, s18, $0xb8;
	[tilespmem:$0x1F540] =	vst v63  }
0x64: {  	_ =	swait.ge [sflag:s10], $0x2800  }
0x65: {  	[sflag:s10] =	ssyncset.done $0x0  }
0x66: {  	s25 =	sadd.s32 $0x500, s16;
	[sflag:s10] =	ssyncadd.s32 $0xFFFFD800  }
0x67: {  	[hbm4b:s25+s4] =	stream.linear.scatter [tilespmem:s21], [sflag:$0xF], $0x2800, $0x38;
	[tilespmem:$0x1F540] =	vst v63  }
0x68: {  	_ =	swait.ge [sflag:s11], $0x2800  }
0x69: {  	[sflag:s11] =	ssyncset.done $0x0  }
0x6a: {  	s17 =	simm.s32 $0x370;
	[sflag:s11] =	ssyncadd.s32 $0xFFFFD800  }
0x6b: {  	[tilespmem:s24], [sflag:$0x4] =	stream.indirect.gather [spmem:s3], $0x80, s17, s18, $0xb8;
	[tilespmem:$0x1F540] =	vst v63  }
0x6c: {  	_ =	swait.ge [sflag:s12], $0x2800  }
0x6d: {  	[sflag:s12] =	ssyncset.done $0x0  }
0x6e: {  	s25 =	sadd.s32 $0xA00, s16;
	[sflag:s12] =	ssyncadd.s32 $0xFFFFD800  }
0x6f: {  	[hbm4b:s25+s4] =	stream.linear.scatter [tilespmem:s30], [sflag:$0x10], $0x2800, $0x38;
	[tilespmem:$0x1F540] =	vst v63  }
0x70: {  	_ =	swait.ge [sflag:s13], $0x2800  }
0x71: {  	[sflag:s13] =	ssyncset.done $0x0  }
0x72: {  	s17 =	simm.s32 $0x3C0;
	[sflag:s13] =	ssyncadd.s32 $0xFFFFD800  }
0x73: {  	[tilespmem:s28], [sflag:$0x5] =	stream.indirect.gather [spmem:s3], $0x80, s17, s18, $0xb8;
	[tilespmem:$0x1F540] =	vst v63  }
0x74: {  	_ =	swait.ge [sflag:s29], $0x2800  }
0x75: {  	[sflag:s29] =	ssyncset.done $0x0  }
0x76: {  	s25 =	sadd.s32 $0xF00, s16;
	[sflag:s29] =	ssyncadd.s32 $0xFFFFD800  }
0x77: {  	[hbm4b:s25+s4] =	stream.linear.scatter [tilespmem:s19], [sflag:$0x9], $0x2800, $0x38;
	[tilespmem:$0x1F540] =	vst v63  }
0x78: {  	_ =	swait.ge [sflag:s14], $0x2800  }
0x79: {  	[sflag:s14] =	ssyncset.done $0x0  }
0x7a: {  	s17 =	simm.s32 $0x410;
	[sflag:s14] =	ssyncadd.s32 $0xFFFFD800  }
0x7b: {  	[tilespmem:s31], [sflag:$0x6] =	stream.indirect.gather [spmem:s3], $0x80, s17, s18, $0xb8;
	[tilespmem:$0x1F540] =	vst v63  }
0x7c: {  	_ =	swait.ge [sflag:s2], $0x2800  }
0x7d: {  	[sflag:s2] =	ssyncset.done $0x0  }
0x7e: {  	s25 =	sadd.s32 $0x1400, s16;
	[sflag:s2] =	ssyncadd.s32 $0xFFFFD800  }
0x7f: {  	[hbm4b:s25+s4] =	stream.linear.scatter [tilespmem:s20], [sflag:$0xA], $0x2800, $0x38;
	[tilespmem:$0x1F540] =	vst v63  }
0x80: {  	_ =	swait.ge [sflag:s15], $0x2800  }
0x81: {  	[sflag:s15] =	ssyncset.done $0x0  }
0x82: {  	s17 =	simm.s32 $0x460;
	[sflag:s15] =	ssyncadd.s32 $0xFFFFD800  }
0x83: {  	[tilespmem:s21], [sflag:$0x7] =	stream.indirect.gather [spmem:s3], $0x80, s17, s18, $0xb8;
	[tilespmem:$0x1F540] =	vst v63  }
0x84: {  	_ =	swait.ge [sflag:s23], $0x2800  }
0x85: {  	[sflag:s23] =	ssyncset.done $0x0  }
0x86: {  	s25 =	sadd.s32 $0x1900, s16;
	[sflag:s23] =	ssyncadd.s32 $0xFFFFD800  }
0x87: {  	[hbm4b:s25+s4] =	stream.linear.scatter [tilespmem:s22], [sflag:$0xB], $0x2800, $0x38;
	[tilespmem:$0x1F540] =	vst v63  }
0x88: {  	_ =	swait.ge [sflag:s7], $0x2800  }
0x89: {  	s1 =	sadd.s32 $0x2800, s16;
	[sflag:s7] =	ssyncset.done $0x0  }
0x8a: {  	s17 =	simm.s32 $0xA00;
	s25 =	simm.s32 $0x4B0;
	[sflag:s7] =	ssyncadd.s32 $0xFFFFD800  }
.LBB2_2:
0x8b: {  	[tilespmem:s30], [sflag:$0x8] =	stream.indirect.gather [spmem:s3], $0x80, s25, s18, $0xb8;
	[tilespmem:$0x1F540] =	vst v63  }
0x8c: {  	s25 =	smov.u32 s17  }
0x8d: {  	p2 =	sne.s32 s17, $0x5000;
	s17 =	sadd.s32 $0xA00, s17;
	_ =	swait.ge [sflag:s0], $0x2800  }
0x8e: {  	[sflag:s0] =	ssyncset.done $0x0  }
0x8f: {  	s16 =	sadd.s32 $0xFFFFF600, s1;
	[sflag:s0] =	ssyncadd.s32 $0xFFFFD800  }
0x90: {  	[hbm4b:s16+s4] =	stream.linear.scatter [tilespmem:s24], [sflag:$0xC], $0x2800, $0x38;
	[tilespmem:$0x1F540] =	vst v63  }
0x91: {  	_ =	swait.ge [sflag:s26], $0x2800  }
0x92: {  	s25 =	sshra.s32 s25, $0x2;
	[sflag:s26] =	ssyncset.done $0x0  }
0x93: {  	s16 =	sadd.s32 $0x280, s25;
	[sflag:s26] =	ssyncadd.s32 $0xFFFFD800  }
0x94: {  	[tilespmem:s19], [sflag:$0x1] =	stream.indirect.gather [spmem:s3], $0x80, s16, s18, $0xb8;
	[tilespmem:$0x1F540] =	vst v63  }
0x95: {  	_ =	swait.ge [sflag:s5], $0x2800  }
0x96: {  	[sflag:s5] =	ssyncset.done $0x0  }
0x97: {  	s16 =	sadd.s32 $0xFFFFFB00, s1;
	[sflag:s5] =	ssyncadd.s32 $0xFFFFD800  }
0x98: {  	[hbm4b:s16+s4] =	stream.linear.scatter [tilespmem:s28], [sflag:$0xD], $0x2800, $0x38;
	[tilespmem:$0x1F540] =	vst v63  }
0x99: {  	_ =	swait.ge [sflag:s6], $0x2800  }
0x9a: {  	[sflag:s6] =	ssyncset.done $0x0  }
0x9b: {  	s16 =	sadd.s32 $0x2D0, s25;
	[sflag:s6] =	ssyncadd.s32 $0xFFFFD800  }
0x9c: {  	[tilespmem:s20], [sflag:$0x2] =	stream.indirect.gather [spmem:s3], $0x80, s16, s18, $0xb8;
	[tilespmem:$0x1F540] =	vst v63  }
0x9d: {  	_ =	swait.ge [sflag:s8], $0x2800  }
0x9e: {  	[sflag:s8] =	ssyncset.done $0x0  }
0x9f: {  	[sflag:s8] =	ssyncadd.s32 $0xFFFFD800  }
0xa0: {  	[hbm4b:s1+s4] =	stream.linear.scatter [tilespmem:s31], [sflag:$0xE], $0x2800, $0x38;
	[tilespmem:$0x1F540] =	vst v63  }
0xa1: {  	_ =	swait.ge [sflag:s9], $0x2800  }
0xa2: {  	[sflag:s9] =	ssyncset.done $0x0  }
0xa3: {  	s16 =	sadd.s32 $0x320, s25;
	[sflag:s9] =	ssyncadd.s32 $0xFFFFD800  }
0xa4: {  	[tilespmem:s22], [sflag:$0x3] =	stream.indirect.gather [spmem:s3], $0x80, s16, s18, $0xb8;
	[tilespmem:$0x1F540] =	vst v63  }
0xa5: {  	_ =	swait.ge [sflag:s10], $0x2800  }
0xa6: {  	[sflag:s10] =	ssyncset.done $0x0  }
0xa7: {  	s16 =	sadd.s32 $0x500, s1;
	[sflag:s10] =	ssyncadd.s32 $0xFFFFD800  }
0xa8: {  	[hbm4b:s16+s4] =	stream.linear.scatter [tilespmem:s21], [sflag:$0xF], $0x2800, $0x38;
	[tilespmem:$0x1F540] =	vst v63  }
0xa9: {  	_ =	swait.ge [sflag:s11], $0x2800  }
0xaa: {  	[sflag:s11] =	ssyncset.done $0x0  }
0xab: {  	s16 =	sadd.s32 $0x370, s25;
	[sflag:s11] =	ssyncadd.s32 $0xFFFFD800  }
0xac: {  	[tilespmem:s24], [sflag:$0x4] =	stream.indirect.gather [spmem:s3], $0x80, s16, s18, $0xb8;
	[tilespmem:$0x1F540] =	vst v63  }
0xad: {  	_ =	swait.ge [sflag:s12], $0x2800  }
0xae: {  	[sflag:s12] =	ssyncset.done $0x0  }
0xaf: {  	s16 =	sadd.s32 $0xA00, s1;
	[sflag:s12] =	ssyncadd.s32 $0xFFFFD800  }
0xb0: {  	[hbm4b:s16+s4] =	stream.linear.scatter [tilespmem:s30], [sflag:$0x10], $0x2800, $0x38;
	[tilespmem:$0x1F540] =	vst v63  }
0xb1: {  	_ =	swait.ge [sflag:s13], $0x2800  }
0xb2: {  	[sflag:s13] =	ssyncset.done $0x0  }
0xb3: {  	s16 =	sadd.s32 $0x3C0, s25;
	[sflag:s13] =	ssyncadd.s32 $0xFFFFD800  }
0xb4: {  	[tilespmem:s28], [sflag:$0x5] =	stream.indirect.gather [spmem:s3], $0x80, s16, s18, $0xb8;
	[tilespmem:$0x1F540] =	vst v63  }
0xb5: {  	_ =	swait.ge [sflag:s29], $0x2800  }
0xb6: {  	[sflag:s29] =	ssyncset.done $0x0  }
0xb7: {  	s16 =	sadd.s32 $0xF00, s1;
	[sflag:s29] =	ssyncadd.s32 $0xFFFFD800  }
0xb8: {  	[hbm4b:s16+s4] =	stream.linear.scatter [tilespmem:s19], [sflag:$0x9], $0x2800, $0x38;
	[tilespmem:$0x1F540] =	vst v63  }
0xb9: {  	_ =	swait.ge [sflag:s14], $0x2800  }
0xba: {  	[sflag:s14] =	ssyncset.done $0x0  }
0xbb: {  	s16 =	sadd.s32 $0x410, s25;
	[sflag:s14] =	ssyncadd.s32 $0xFFFFD800  }
0xbc: {  	[tilespmem:s31], [sflag:$0x6] =	stream.indirect.gather [spmem:s3], $0x80, s16, s18, $0xb8;
	[tilespmem:$0x1F540] =	vst v63  }
0xbd: {  	_ =	swait.ge [sflag:s2], $0x2800  }
0xbe: {  	[sflag:s2] =	ssyncset.done $0x0  }
0xbf: {  	s16 =	sadd.s32 $0x1400, s1;
	[sflag:s2] =	ssyncadd.s32 $0xFFFFD800  }
0xc0: {  	[hbm4b:s16+s4] =	stream.linear.scatter [tilespmem:s20], [sflag:$0xA], $0x2800, $0x38;
	[tilespmem:$0x1F540] =	vst v63  }
0xc1: {  	_ =	swait.ge [sflag:s15], $0x2800  }
0xc2: {  	[sflag:s15] =	ssyncset.done $0x0  }
0xc3: {  	s16 =	sadd.s32 $0x460, s25;
	[sflag:s15] =	ssyncadd.s32 $0xFFFFD800  }
0xc4: {  	[tilespmem:s21], [sflag:$0x7] =	stream.indirect.gather [spmem:s3], $0x80, s16, s18, $0xb8;
	[tilespmem:$0x1F540] =	vst v63  }
0xc5: {  	_ =	swait.ge [sflag:s23], $0x2800  }
0xc6: {  	[sflag:s23] =	ssyncset.done $0x0  }
.Ltmp0:
0xc7: {  	s16 =	sadd.s32 $0x1900, s1;
	[sflag:s23] =	ssyncadd.s32 $0xFFFFD800;
	(pc) =	sbr.rel @p2 .LBB2_2-.Ltmp0, $4  }
0xc8: {  	[hbm4b:s16+s4] =	stream.linear.scatter [tilespmem:s22], [sflag:$0xB], $0x2800, $0x38;
	[tilespmem:$0x1F540] =	vst v63  }
0xc9: {  	_ =	swait.ge [sflag:s7], $0x2800  }
0xca: {  	[sflag:s7] =	ssyncset.done $0x0  }
0xcb: {  	s25 =	sadd.s32 $0x4B0, s25;
	s1 =	sadd.s32 $0x2800, s1;
	[sflag:s7] =	ssyncadd.s32 $0xFFFFD800  }
0xcc: {  	[tilespmem:s30], [sflag:$0x8] =	stream.indirect.gather [spmem:s3], $0x80, s25, s18, $0xb8;
	[tilespmem:$0x1F540] =	vst v63  }
0xcd: {  	_ =	swait.ge [sflag:s0], $0x2800  }
0xce: {  	[sflag:s0] =	ssyncset.done $0x0  }
0xcf: {  	s1 =	rddreg [dreg:$0xa];
	[sflag:s0] =	ssyncadd.s32 $0xFFFFD800  }
0xd0: {  	[hbm4b:s1+s4] =	stream.linear.scatter [tilespmem:s24], [sflag:$0xC], $0x2800, $0x38;
	[tilespmem:$0x1F540] =	vst v63  }
0xd1: {  	_ =	swait.ge [sflag:s26], $0x2800  }
0xd2: {  	[sflag:s26] =	ssyncset.done $0x0  }
0xd3: {  	[sflag:s26] =	ssyncadd.s32 $0xFFFFD800  }
0xd4: {  	_ =	swait.ge [sflag:s5], $0x2800  }
0xd5: {  	[sflag:s5] =	ssyncset.done $0x0  }
0xd6: {  	s17 =	rddreg [dreg:$0xb];
	[sflag:s5] =	ssyncadd.s32 $0xFFFFD800  }
0xd7: {  	[hbm4b:s17+s4] =	stream.linear.scatter [tilespmem:s28], [sflag:$0xD], $0x2800, $0x38;
	[tilespmem:$0x1F540] =	vst v63  }
0xd8: {  	_ =	swait.ge [sflag:s6], $0x2800  }
0xd9: {  	[sflag:s6] =	ssyncset.done $0x0  }
0xda: {  	[sflag:s6] =	ssyncadd.s32 $0xFFFFD800  }
0xdb: {  	_ =	swait.ge [sflag:s8], $0x2800  }
0xdc: {  	[sflag:s8] =	ssyncset.done $0x0  }
0xdd: {  	s25 =	rddreg [dreg:$0xc];
	[sflag:s8] =	ssyncadd.s32 $0xFFFFD800  }
0xde: {  	[hbm4b:s25+s4] =	stream.linear.scatter [tilespmem:s31], [sflag:$0xE], $0x2800, $0x38;
	[tilespmem:$0x1F540] =	vst v63  }
0xdf: {  	_ =	swait.ge [sflag:s9], $0x2800  }
0xe0: {  	[sflag:s9] =	ssyncset.done $0x0  }
0xe1: {  	[sflag:s9] =	ssyncadd.s32 $0xFFFFD800  }
0xe2: {  	_ =	swait.ge [sflag:s10], $0x2800  }
0xe3: {  	[sflag:s10] =	ssyncset.done $0x0  }
0xe4: {  	s16 =	rddreg [dreg:$0xd];
	[sflag:s10] =	ssyncadd.s32 $0xFFFFD800  }
0xe5: {  	[hbm4b:s16+s4] =	stream.linear.scatter [tilespmem:s21], [sflag:$0xF], $0x2800, $0x38;
	[tilespmem:$0x1F540] =	vst v63  }
0xe6: {  	_ =	swait.ge [sflag:s11], $0x2800  }
0xe7: {  	[sflag:s11] =	ssyncset.done $0x0  }
0xe8: {  	[sflag:s11] =	ssyncadd.s32 $0xFFFFD800  }
0xe9: {  	_ =	swait.ge [sflag:s12], $0x2800  }
0xea: {  	[sflag:s12] =	ssyncset.done $0x0  }
0xeb: {  	s17 =	rddreg [dreg:$0xe];
	[sflag:s12] =	ssyncadd.s32 $0xFFFFD800  }
0xec: {  	[hbm4b:s17+s4] =	stream.linear.scatter [tilespmem:s30], [sflag:$0x10], $0x2800, $0x38;
	[tilespmem:$0x1F540] =	vst v63  }
0xed: {  	_ =	swait.ge [sflag:s13], $0x2800  }
0xee: {  	[sflag:s13] =	ssyncset.done $0x0  }
0xef: {  	[sflag:s13] =	ssyncadd.s32 $0xFFFFD800  }
0xf0: {  	_ =	swait.ge [sflag:s14], $0x2800  }
0xf1: {  	[sflag:s14] =	ssyncset.done $0x0  }
0xf2: {  	[sflag:s14] =	ssyncadd.s32 $0xFFFFD800  }
0xf3: {  	_ =	swait.ge [sflag:s15], $0x2800  }
0xf4: {  	[sflag:s15] =	ssyncset.done $0x0  }
0xf5: {  	[sflag:s15] =	ssyncadd.s32 $0xFFFFD800  }
0xf6: {  	_ =	swait.ge [sflag:s7], $0x2800  }
0xf7: {  	s16 =	rddreg [dreg:$0x12]  }
0xf8: {  	s25 =	rddreg [dreg:$0xf];
	s16 =	sadd.s32 $0x1, s16  }
0xf9: {  	p2 =	sne.s32 s16, s25  }
.Ltmp1:
0xfa: {  	_ = 	snop;
	(pc) =	sbr.rel @p2 .LBB2_1-.Ltmp1, $3  }
0xfb: {  	_ =	sdelay $0x1  }
0xfc: {  	[sflag:s7] =	ssyncset.done $0x0  }
0xfd: {  	[sflag:s7] =	ssyncadd.s32 $0xFFFFD800  }
0xfe: {  	_ =	sfence.sel $0x180000  }
0xff: {  	[bflag:$0x0] =	sbarrier.arrive $0xFFFF  }
0x100: {  	_ =	strace $0x90000047  }
0x101: {  	s0 =	stileid.u32;
	[bflag:$0x2] =	sbarrier.arrive $0xFFFF  }
0x102: {  	p0 =	sne.s32 s0, $0x0;
	s0 =	rddreg [dreg:$0x4]  }
0x103: {  	s0 =	sadd.s32 @!p0 $0x100000, s0  }
0x104: {  	[sflag:s0] =	ssyncadd.tile.s32 @!p0 $0x1;
	_ =	shalt  }
.Lfunc_end2:
_tile_overlayer_lowered:
.L_overlay_start_2:
0x105: {  	(tag) =	ssettag $0x2  }
0x106: {  	s0 =	rddreg [dreg:$0x0];
	s2 =	stileid.u32  }
0x107: {  	s1 =	rddreg [dreg:$0x1];
	p0 =	sne.s32 s2, $0x0  }
0x108: {  	s3 =	rddreg [dreg:$0x2];
	[bflag:$0x3] =	sbarrier.arrive $0xFFFF;
	s2 =	simm.s32 @!p0 $0x1C11  }
0x109: {  	[timem:s3], [sflag:s2] =	dma.local @!p0 [hbm:s0], s1  }
0x10a: {  	s0 =	simm.s32 @!p0 $0x11  }
0x10b: {  	_ =	swait.ge @!p0 [sflag:s0], s1  }
0x10c: {  	s1 =	ssub.s32 @!p0 $0x0, s1;
	[sflag:s0] =	ssyncset.done @!p0 $0x0  }
0x10d: {  	[sflag:s0] =	ssyncadd.s32 @!p0 s1  }
0x10e: {  	[bflag:$0x3] =	sbarrier.arrive $0xFFFF  }
0x10f: {  	_ =	shalt  }

</sc_bundles>
